<compile_context>
chip_gen: v7x
topology: tpu7x:2x2x1
jax: 0.10.2.dev20260603
libtpu: 0.0.44.dev20260713+nightly
codegen_flags: <defaults>
</compile_context>

<pallas_src>
import functools

import jax
import jax.numpy as jnp
from jax import lax
from jax.experimental import pallas as pl
from jax.experimental.pallas import tpu as pltpu
from jax.experimental.pallas import tpu_sc as plsc

K_CODES = 8192
D_LAT = 32
N_TOK = 8192
BETA = 0.25

TB = 4096
KB = 2048
NT = N_TOK // TB
NK = K_CODES // KB

_NC = 2
_NS = 16
_NW = _NC * _NS
_CHUNK = 128
_CHUNKS_TOTAL = N_TOK // _CHUNK
_CHUNKS_PER_W = _CHUNKS_TOTAL // _NW


def _sum32(p):
    r = ((p[:, 0:8] + p[:, 8:16]) + p[:, 16:24]) + p[:, 24:32]
    c = [r[:, j] for j in range(8)]
    return ((c[0] + c[1]) + (c[2] + c[3])) + ((c[4] + c[5]) + (c[6] + c[7]))


def _sum32_col(p):
    r = ((p[:, 0:8] + p[:, 8:16]) + p[:, 16:24]) + p[:, 24:32]
    c = [r[:, j:j + 1] for j in range(8)]
    return ((c[0] + c[1]) + (c[2] + c[3])) + ((c[4] + c[5]) + (c[6] + c[7]))


def _dist_argmin_body(x_ref, w_ref, idx_ref, loss_ref, minv, mini, a_s, b_s):
    t = pl.program_id(0)
    k = pl.program_id(1)
    xb = x_ref[...]
    wb = w_ref[...]

    @pl.when(k == 0)
    def _():
        a_s[...] = _sum32_col(xb * xb)

    @pl.when(t == 0)
    def _():
        b_s[pl.ds(k * KB, KB)] = _sum32(wb * wb)

    a = a_s[...]
    b = b_s[pl.ds(k * KB, KB)]
    gio = lax.broadcasted_iota(jnp.int32, (TB, 128), 1)
    acc_v = None
    acc_i = None
    SW = 512
    for q in range(KB // SW):
        sq = lax.dot_general(xb, wb[q * SW:(q + 1) * SW, :],
                             (((1,), (1,)), ((), ())))
        for gg in range(SW // 128):
            g = q * (SW // 128) + gg
            sg = sq[:, gg * 128:(gg + 1) * 128]
            bg = b[g * 128:(g + 1) * 128]
            dg = ((a - 2.0 * sg) + bg[None, :]) * (1.0 / D_LAT)
            if g == 0:
                acc_v = dg
                acc_i = gio + k * KB
            else:
                better = dg < acc_v
                acc_v = jnp.where(better, dg, acc_v)
                acc_i = jnp.where(better, gio + (k * KB + g * 128), acc_i)
    lmin = jnp.min(acc_v, axis=1, keepdims=True)
    lidx = jnp.min(jnp.where(acc_v == lmin, acc_i, jnp.int32(2**30)),
                   axis=1, keepdims=True)

    @pl.when(k == 0)
    def _():
        minv[...] = lmin.astype(jnp.bfloat16)
        mini[...] = lidx

    @pl.when(k > 0)
    def _():
        acc = minv[...].astype(jnp.float32)
        better = lmin < acc
        minv[...] = jnp.where(better, lmin, acc).astype(jnp.bfloat16)
        mini[...] = jnp.where(better, lidx, mini[...])

    @pl.when(k == NK - 1)
    def _():
        idx_ref[0, 0, :] = mini[...][:, 0]
        tot = jnp.sum(minv[...].astype(jnp.float32))
        acc = jnp.where(t == 0, 0.0, loss_ref[0, 0]) + tot
        loss_ref[0, 0] = acc * jnp.where(t == NT - 1,
                                         (1.0 + BETA) / N_TOK, 1.0)


_dist_argmin = pl.pallas_call(
    _dist_argmin_body,
    grid=(NT, NK),
    in_specs=[
        pl.BlockSpec((TB, D_LAT), lambda t, k: (t, 0)),
        pl.BlockSpec((KB, D_LAT), lambda t, k: (k, 0)),
    ],
    out_specs=[
        pl.BlockSpec((1, 1, TB), lambda t, k: (t, 0, 0)),
        pl.BlockSpec((1, 1), lambda t, k: (0, 0),
                     memory_space=pltpu.SMEM),
    ],
    out_shape=[
        jax.ShapeDtypeStruct((NT, 1, TB), jnp.int32),
        jax.ShapeDtypeStruct((1, 1), jnp.float32),
    ],
    scratch_shapes=[
        pltpu.VMEM((TB, 1), jnp.bfloat16),
        pltpu.VMEM((TB, 1), jnp.int32),
        pltpu.VMEM((TB, 1), jnp.float32),
        pltpu.VMEM((K_CODES,), jnp.float32),
    ],
)


@functools.cache
def _make_sc_gather():
    @functools.partial(
        pl.kernel,
        out_type=jax.ShapeDtypeStruct((N_TOK, D_LAT), jnp.float32),
        mesh=plsc.VectorSubcoreMesh(core_axis_name="c", subcore_axis_name="s",
                                    num_cores=_NC, num_subcores=_NS),
        scratch_types=[
            pltpu.VMEM((_CHUNK,), jnp.int32),
            pltpu.VMEM((_CHUNK, D_LAT), jnp.float32),
            pltpu.SemaphoreType.DMA,
        ],
        compiler_params=pltpu.CompilerParams(use_tc_tiling_on_sc=False),
    )
    def _sc_gather(idx_hbm, w_hbm, out_hbm, idx_v, rows_v, sem):
        c = lax.axis_index("c")
        s = lax.axis_index("s")
        wid = s * _NC + c
        for j in range(_CHUNKS_PER_W):
            r = wid * _CHUNKS_PER_W + j
            pltpu.sync_copy(idx_hbm.at[r], idx_v)
            pltpu.async_copy(w_hbm.at[idx_v], rows_v, sem).wait()
            pltpu.sync_copy(rows_v, out_hbm.at[pl.ds(r * _CHUNK, _CHUNK)])

    return _sc_gather


def kernel(x, W):
    xp = jnp.transpose(x, (0, 2, 3, 1))
    flat = xp.reshape(N_TOK, D_LAT)
    idx3, loss_arr = _dist_argmin(flat, W)
    idx = idx3.reshape(N_TOK)
    q = _make_sc_gather()(idx.reshape(_CHUNKS_TOTAL, _CHUNK), W)
    out = jnp.transpose(q.reshape(xp.shape), (0, 3, 1, 2))
    return (loss_arr[0, 0], idx.reshape(N_TOK, 1), out)

# --- scband reference (transcript-rebuilt; emitter-appended) ---
"""Pipeline reference for scband-vector-quantizer-79551384256864 (READ-ONLY COPY).

The authoritative reference and input builder live on the scoring server;
editing this copy changes nothing except your own understanding.
"""

import jax, jax.numpy as jnp
import numpy as np

K_VECS = 8192
LATENT_DIMS = 32
BETA = 0.25

def setup_inputs(seed: int = 0) -> dict:
    key = jax.random.key(seed)
    k1, k2 = jax.random.split(key)
    x = jax.random.normal(k1, (8, LATENT_DIMS, 32, 32), dtype=jnp.float32)
    W = jax.random.normal(k2, (K_VECS, LATENT_DIMS), dtype=jnp.float32) * 0.02
    return {"x": x, "W": W}

def reference(x, W):
    # x: [B, C, H, W] -> [B, H, W, C]
    xp = jnp.transpose(x, (0, 2, 3, 1))
    input_shape = xp.shape
    flat = xp.reshape(-1, LATENT_DIMS)  # [N, D]
    # distances[n,k] = mean_d (flat[n,d] - W[k,d])^2
    # expanded identically to (flat[:,None,:]-W[None,:,:]).pow(2).mean(2)
    d2 = (jnp.sum(flat * flat, axis=1)[:, None]
          - 2.0 * (flat @ W.T)
          + jnp.sum(W * W, axis=1)[None, :]) / LATENT_DIMS
    encoding_indices = jnp.argmin(d2, axis=1)[:, None]  # [N, 1]
    quantized = jnp.take(W, encoding_indices[:, 0], axis=0).reshape(input_shape)
    codebook_loss = jnp.mean((quantized - jax.lax.stop_gradient(xp)) ** 2)
    commitment_loss = jnp.mean((jax.lax.stop_gradient(quantized) - xp) ** 2)
    loss = codebook_loss + BETA * commitment_loss
    # straight-through estimator (module default training=True)
    quantized = xp + jax.lax.stop_gradient(quantized - xp)
    out = jnp.transpose(quantized, (0, 3, 1, 2))
    return (loss, encoding_indices, out)

if __name__ == "__main__":
    import jax
    _d = setup_inputs()
    print(jax.jit(kernel)(*tuple(_d.values())))

</pallas_src>

<mosaic_0001>
#map = affine_map<(d0, d1) -> (0, 0)>
module attributes {stable_mosaic.version = 14 : i64} {
  func.func @_sc_gather(%arg0: i32, %arg1: i32, %arg2: memref<64x128xi32, #tpu.memory_space<hbm>>, %arg3: memref<8192x32xf32, #tpu.memory_space<hbm>>, %arg4: memref<8192x32xf32, #tpu.memory_space<hbm>>, %arg5: memref<128xi32, #tpu.memory_space<vmem>>, %arg6: memref<128x32xf32, #tpu.memory_space<vmem>>, %arg7: memref<!tpu.dma_semaphore, #tpu.memory_space<semaphore_mem>>) attributes {dimension_semantics = [#tpu.dimension_semantics<core_parallel>, #tpu.dimension_semantics<subcore_parallel>], iteration_bounds = array<i64: 2, 16>, scalar_prefetch = 0 : i64, scratch_operands = 3 : i64, tpu.core_type = #tpu.core_type<sc_vector_subcore>, window_params = [{transform_indices = #map}, {transform_indices = #map}, {transform_indices = #map}]} {
    %mul3A = arith.constant 2 : i32
    %mul3A_0 = arith.muli %arg1, %mul3A : i32
    %add3A = arith.addi %mul3A_0, %arg0 : i32
    %mul3A_1 = arith.constant 2 : i32
    %mul3A_2 = arith.muli %add3A, %mul3A_1 : i32
    %add3A_3 = arith.constant 0 : i32
    %add3A_4 = arith.addi %mul3A_2, %add3A_3 : i32
    "tpu.region"() ({
      %run_scoped3A = tpu.sem_alloc : memref<!tpu.dma_semaphore, #tpu.memory_space<semaphore_mem>>
      %dma_start3A_23 = arith.constant 0 : i32
      %dma_start3A_24 = tpu.memref_slice %arg2[%add3A_4, %dma_start3A_23] : memref<64x128xi32, #tpu.memory_space<hbm>> -> memref<1x128xi32, #tpu.memory_space<hbm>>
      %dma_start3A_25 = tpu.memref_squeeze %dma_start3A_24 : memref<1x128xi32, #tpu.memory_space<hbm>> -> memref<128xi32, #tpu.memory_space<hbm>>
      %dma_start3A_26 = arith.constant 0 : i32
      %dma_start3A_27 = tpu.memref_slice %arg2[%add3A_4, %dma_start3A_26] : memref<64x128xi32, #tpu.memory_space<hbm>> -> memref<1x128xi32, #tpu.memory_space<hbm>>
      %dma_start3A_28 = tpu.memref_squeeze %dma_start3A_27 : memref<1x128xi32, #tpu.memory_space<hbm>> -> memref<128xi32, #tpu.memory_space<hbm>>
      tpu.enqueue_dma source(%dma_start3A_28 : memref<128xi32, #tpu.memory_space<hbm>>) target(%arg5 : memref<128xi32, #tpu.memory_space<vmem>>) target_semaphore(%run_scoped3A : memref<!tpu.dma_semaphore, #tpu.memory_space<semaphore_mem>>)
      %dma_wait3A_29 = arith.constant 0 : i32
      %dma_wait3A_30 = tpu.memref_slice %arg2[%add3A_4, %dma_wait3A_29] : memref<64x128xi32, #tpu.memory_space<hbm>> -> memref<1x128xi32, #tpu.memory_space<hbm>>
      %dma_wait3A_31 = tpu.memref_squeeze %dma_wait3A_30 : memref<1x128xi32, #tpu.memory_space<hbm>> -> memref<128xi32, #tpu.memory_space<hbm>>
      %dma_wait3A_32 = arith.constant 0 : i32
      %dma_wait3A_33 = tpu.memref_slice %arg2[%add3A_4, %dma_wait3A_32] : memref<64x128xi32, #tpu.memory_space<hbm>> -> memref<1x128xi32, #tpu.memory_space<hbm>>
      %dma_wait3A_34 = tpu.memref_squeeze %dma_wait3A_33 : memref<1x128xi32, #tpu.memory_space<hbm>> -> memref<128xi32, #tpu.memory_space<hbm>>
      tpu.wait_dma2 semaphore(%run_scoped3A : memref<!tpu.dma_semaphore, #tpu.memory_space<semaphore_mem>>) src(%dma_wait3A_34 : memref<128xi32, #tpu.memory_space<hbm>>) dst(%arg5 : memref<128xi32, #tpu.memory_space<vmem>>)
      tpu.yield
    }) : () -> ()
    %dma_start3A = arith.constant 0 : i32
    %dma_start3A_5 = arith.constant 0 : i32
    %dma_start3A_6 = tpu.memref_slice %arg3[%dma_start3A, %dma_start3A_5] : memref<8192x32xf32, #tpu.memory_space<hbm>> -> memref<8192x32xf32, #tpu.memory_space<hbm>>
    tpu.enqueue_indirect_dma source(%dma_start3A_6 : memref<8192x32xf32, #tpu.memory_space<hbm>>) target(%arg6 : memref<128x32xf32, #tpu.memory_space<vmem>>) offsets(%arg5 : memref<128xi32, #tpu.memory_space<vmem>>) semaphore(%arg7 : memref<!tpu.dma_semaphore, #tpu.memory_space<semaphore_mem>>)
    %dma_wait3A = arith.constant 0 : i32
    %dma_wait3A_7 = arith.constant 0 : i32
    %dma_wait3A_8 = tpu.memref_slice %arg3[%dma_wait3A, %dma_wait3A_7] : memref<8192x32xf32, #tpu.memory_space<hbm>> -> memref<8192x32xf32, #tpu.memory_space<hbm>>
    tpu.wait_indirect_dma semaphore(%arg7 : memref<!tpu.dma_semaphore, #tpu.memory_space<semaphore_mem>>) src(%dma_wait3A_8 : memref<8192x32xf32, #tpu.memory_space<hbm>>) dst(%arg6 : memref<128x32xf32, #tpu.memory_space<vmem>>)
    %mul3A_9 = arith.constant 128 : i32
    %mul3A_10 = arith.muli %add3A_4, %mul3A_9 : i32
    "tpu.region"() ({
      %run_scoped3A = tpu.sem_alloc : memref<!tpu.dma_semaphore, #tpu.memory_space<semaphore_mem>>
      %dma_start3A_23 = arith.constant 0 : i32
      %dma_start3A_24 = tpu.memref_slice %arg4[%mul3A_10, %dma_start3A_23] : memref<8192x32xf32, #tpu.memory_space<hbm>> -> memref<128x32xf32, #tpu.memory_space<hbm>>
      %dma_start3A_25 = arith.constant 0 : i32
      %dma_start3A_26 = tpu.memref_slice %arg4[%mul3A_10, %dma_start3A_25] : memref<8192x32xf32, #tpu.memory_space<hbm>> -> memref<128x32xf32, #tpu.memory_space<hbm>>
      tpu.enqueue_dma source(%arg6 : memref<128x32xf32, #tpu.memory_space<vmem>>) target(%dma_start3A_26 : memref<128x32xf32, #tpu.memory_space<hbm>>) target_semaphore(%run_scoped3A : memref<!tpu.dma_semaphore, #tpu.memory_space<semaphore_mem>>)
      %dma_wait3A_27 = arith.constant 0 : i32
      %dma_wait3A_28 = tpu.memref_slice %arg4[%mul3A_10, %dma_wait3A_27] : memref<8192x32xf32, #tpu.memory_space<hbm>> -> memref<128x32xf32, #tpu.memory_space<hbm>>
      %dma_wait3A_29 = arith.constant 0 : i32
      %dma_wait3A_30 = tpu.memref_slice %arg4[%mul3A_10, %dma_wait3A_29] : memref<8192x32xf32, #tpu.memory_space<hbm>> -> memref<128x32xf32, #tpu.memory_space<hbm>>
      tpu.wait_dma2 semaphore(%run_scoped3A : memref<!tpu.dma_semaphore, #tpu.memory_space<semaphore_mem>>) src(%arg6 : memref<128x32xf32, #tpu.memory_space<vmem>>) dst(%dma_wait3A_30 : memref<128x32xf32, #tpu.memory_space<hbm>>)
      tpu.yield
    }) : () -> ()
    %mul3A_11 = arith.constant 2 : i32
    %mul3A_12 = arith.muli %add3A, %mul3A_11 : i32
    %add3A_13 = arith.constant 1 : i32
    %add3A_14 = arith.addi %mul3A_12, %add3A_13 : i32
    "tpu.region"() ({
      %run_scoped3A = tpu.sem_alloc : memref<!tpu.dma_semaphore, #tpu.memory_space<semaphore_mem>>
      %dma_start3A_23 = arith.constant 0 : i32
      %dma_start3A_24 = tpu.memref_slice %arg2[%add3A_14, %dma_start3A_23] : memref<64x128xi32, #tpu.memory_space<hbm>> -> memref<1x128xi32, #tpu.memory_space<hbm>>
      %dma_start3A_25 = tpu.memref_squeeze %dma_start3A_24 : memref<1x128xi32, #tpu.memory_space<hbm>> -> memref<128xi32, #tpu.memory_space<hbm>>
      %dma_start3A_26 = arith.constant 0 : i32
      %dma_start3A_27 = tpu.memref_slice %arg2[%add3A_14, %dma_start3A_26] : memref<64x128xi32, #tpu.memory_space<hbm>> -> memref<1x128xi32, #tpu.memory_space<hbm>>
      %dma_start3A_28 = tpu.memref_squeeze %dma_start3A_27 : memref<1x128xi32, #tpu.memory_space<hbm>> -> memref<128xi32, #tpu.memory_space<hbm>>
      tpu.enqueue_dma source(%dma_start3A_28 : memref<128xi32, #tpu.memory_space<hbm>>) target(%arg5 : memref<128xi32, #tpu.memory_space<vmem>>) target_semaphore(%run_scoped3A : memref<!tpu.dma_semaphore, #tpu.memory_space<semaphore_mem>>)
      %dma_wait3A_29 = arith.constant 0 : i32
      %dma_wait3A_30 = tpu.memref_slice %arg2[%add3A_14, %dma_wait3A_29] : memref<64x128xi32, #tpu.memory_space<hbm>> -> memref<1x128xi32, #tpu.memory_space<hbm>>
      %dma_wait3A_31 = tpu.memref_squeeze %dma_wait3A_30 : memref<1x128xi32, #tpu.memory_space<hbm>> -> memref<128xi32, #tpu.memory_space<hbm>>
      %dma_wait3A_32 = arith.constant 0 : i32
      %dma_wait3A_33 = tpu.memref_slice %arg2[%add3A_14, %dma_wait3A_32] : memref<64x128xi32, #tpu.memory_space<hbm>> -> memref<1x128xi32, #tpu.memory_space<hbm>>
      %dma_wait3A_34 = tpu.memref_squeeze %dma_wait3A_33 : memref<1x128xi32, #tpu.memory_space<hbm>> -> memref<128xi32, #tpu.memory_space<hbm>>
      tpu.wait_dma2 semaphore(%run_scoped3A : memref<!tpu.dma_semaphore, #tpu.memory_space<semaphore_mem>>) src(%dma_wait3A_34 : memref<128xi32, #tpu.memory_space<hbm>>) dst(%arg5 : memref<128xi32, #tpu.memory_space<vmem>>)
      tpu.yield
    }) : () -> ()
    %dma_start3A_15 = arith.constant 0 : i32
    %dma_start3A_16 = arith.constant 0 : i32
    %dma_start3A_17 = tpu.memref_slice %arg3[%dma_start3A_15, %dma_start3A_16] : memref<8192x32xf32, #tpu.memory_space<hbm>> -> memref<8192x32xf32, #tpu.memory_space<hbm>>
    tpu.enqueue_indirect_dma source(%dma_start3A_17 : memref<8192x32xf32, #tpu.memory_space<hbm>>) target(%arg6 : memref<128x32xf32, #tpu.memory_space<vmem>>) offsets(%arg5 : memref<128xi32, #tpu.memory_space<vmem>>) semaphore(%arg7 : memref<!tpu.dma_semaphore, #tpu.memory_space<semaphore_mem>>)
    %dma_wait3A_18 = arith.constant 0 : i32
    %dma_wait3A_19 = arith.constant 0 : i32
    %dma_wait3A_20 = tpu.memref_slice %arg3[%dma_wait3A_18, %dma_wait3A_19] : memref<8192x32xf32, #tpu.memory_space<hbm>> -> memref<8192x32xf32, #tpu.memory_space<hbm>>
    tpu.wait_indirect_dma semaphore(%arg7 : memref<!tpu.dma_semaphore, #tpu.memory_space<semaphore_mem>>) src(%dma_wait3A_20 : memref<8192x32xf32, #tpu.memory_space<hbm>>) dst(%arg6 : memref<128x32xf32, #tpu.memory_space<vmem>>)
    %mul3A_21 = arith.constant 128 : i32
    %mul3A_22 = arith.muli %add3A_14, %mul3A_21 : i32
    "tpu.region"() ({
      %run_scoped3A = tpu.sem_alloc : memref<!tpu.dma_semaphore, #tpu.memory_space<semaphore_mem>>
      %dma_start3A_23 = arith.constant 0 : i32
      %dma_start3A_24 = tpu.memref_slice %arg4[%mul3A_22, %dma_start3A_23] : memref<8192x32xf32, #tpu.memory_space<hbm>> -> memref<128x32xf32, #tpu.memory_space<hbm>>
      %dma_start3A_25 = arith.constant 0 : i32
      %dma_start3A_26 = tpu.memref_slice %arg4[%mul3A_22, %dma_start3A_25] : memref<8192x32xf32, #tpu.memory_space<hbm>> -> memref<128x32xf32, #tpu.memory_space<hbm>>
      tpu.enqueue_dma source(%arg6 : memref<128x32xf32, #tpu.memory_space<vmem>>) target(%dma_start3A_26 : memref<128x32xf32, #tpu.memory_space<hbm>>) target_semaphore(%run_scoped3A : memref<!tpu.dma_semaphore, #tpu.memory_space<semaphore_mem>>)
      %dma_wait3A_27 = arith.constant 0 : i32
      %dma_wait3A_28 = tpu.memref_slice %arg4[%mul3A_22, %dma_wait3A_27] : memref<8192x32xf32, #tpu.memory_space<hbm>> -> memref<128x32xf32, #tpu.memory_space<hbm>>
      %dma_wait3A_29 = arith.constant 0 : i32
      %dma_wait3A_30 = tpu.memref_slice %arg4[%mul3A_22, %dma_wait3A_29] : memref<8192x32xf32, #tpu.memory_space<hbm>> -> memref<128x32xf32, #tpu.memory_space<hbm>>
      tpu.wait_dma2 semaphore(%run_scoped3A : memref<!tpu.dma_semaphore, #tpu.memory_space<semaphore_mem>>) src(%arg6 : memref<128x32xf32, #tpu.memory_space<vmem>>) dst(%dma_wait3A_30 : memref<128x32xf32, #tpu.memory_space<hbm>>)
      tpu.yield
    }) : () -> ()
    return
  }
}

module attributes {stable_mosaic.version = 14 : i64} {
  func.func @_dist_argmin_body(%arg0: i32, %arg1: i32, %arg2: memref<4096x32xf32, #tpu.memory_space<vmem>>, %arg3: memref<2048x32xf32, #tpu.memory_space<vmem>>, %arg4: memref<1x1x4096xi32, #tpu.memory_space<vmem>>, %arg5: memref<1x1xf32, #tpu.memory_space<smem>>, %arg6: memref<4096x1xbf16, #tpu.memory_space<vmem>>, %arg7: memref<4096x1xi32, #tpu.memory_space<vmem>>, %arg8: memref<4096x1xf32, #tpu.memory_space<vmem>>, %arg9: memref<8192xf32, #tpu.memory_space<vmem>>) attributes {dimension_semantics = [#tpu.dimension_semantics<arbitrary>, #tpu.dimension_semantics<arbitrary>], iteration_bounds = array<i64: 2, 4>, scalar_prefetch = 0 : i64, scratch_operands = 4 : i64, tpu.core_type = #tpu.core_type<tc>, window_params = [{transform_indices = @transform_0, window_bounds = array<i64: 4096, 32>}, {transform_indices = @transform_1, window_bounds = array<i64: 2048, 32>}, {transform_indices = @transform_2, window_bounds = array<i64: 1, 1, 4096>}, {transform_indices = @transform_3, window_bounds = array<i64: 1, 1>}]} {
    %get3A = arith.constant 0 : index
    %get3A_0 = arith.constant 0 : index
    %get3A_1 = vector.load %arg2[%get3A, %get3A_0] : memref<4096x32xf32, #tpu.memory_space<vmem>>, vector<4096x32xf32>
    %get3A_2 = arith.constant 0 : index
    %get3A_3 = arith.constant 0 : index
    %get3A_4 = vector.load %arg3[%get3A_2, %get3A_3] : memref<2048x32xf32, #tpu.memory_space<vmem>>, vector<2048x32xf32>
    %eq3A = arith.constant 0 : i32
    %eq3A_5 = arith.cmpi eq, %arg1, %eq3A : i32
    %convert_element_type3A = arith.extui %eq3A_5 : i1 to i32
    %cond3A = arith.constant 0 : i32
    %cond3A_6 = arith.cmpi ne, %convert_element_type3A, %cond3A : i32
    scf.if %cond3A_6 {
      %mul3A_393 = arith.mulf %get3A_1, %get3A_1 : vector<4096x32xf32>
      %slice3A_394 = vector.extract_strided_slice %mul3A_393 {offsets = [0, 0], sizes = [4096, 8], strides = [1, 1]} : vector<4096x32xf32> to vector<4096x8xf32>
      %slice3A_395 = vector.extract_strided_slice %mul3A_393 {offsets = [0, 8], sizes = [4096, 8], strides = [1, 1]} : vector<4096x32xf32> to vector<4096x8xf32>
      %add3A_396 = arith.addf %slice3A_394, %slice3A_395 : vector<4096x8xf32>
      %slice3A_397 = vector.extract_strided_slice %mul3A_393 {offsets = [0, 16], sizes = [4096, 8], strides = [1, 1]} : vector<4096x32xf32> to vector<4096x8xf32>
      %add3A_398 = arith.addf %add3A_396, %slice3A_397 : vector<4096x8xf32>
      %slice3A_399 = vector.extract_strided_slice %mul3A_393 {offsets = [0, 24], sizes = [4096, 8], strides = [1, 1]} : vector<4096x32xf32> to vector<4096x8xf32>
      %add3A_400 = arith.addf %add3A_398, %slice3A_399 : vector<4096x8xf32>
      %slice3A_401 = vector.extract_strided_slice %add3A_400 {offsets = [0, 0], sizes = [4096, 1], strides = [1, 1]} : vector<4096x8xf32> to vector<4096x1xf32>
      %slice3A_402 = vector.extract_strided_slice %add3A_400 {offsets = [0, 1], sizes = [4096, 1], strides = [1, 1]} : vector<4096x8xf32> to vector<4096x1xf32>
      %slice3A_403 = vector.extract_strided_slice %add3A_400 {offsets = [0, 2], sizes = [4096, 1], strides = [1, 1]} : vector<4096x8xf32> to vector<4096x1xf32>
      %slice3A_404 = vector.extract_strided_slice %add3A_400 {offsets = [0, 3], sizes = [4096, 1], strides = [1, 1]} : vector<4096x8xf32> to vector<4096x1xf32>
      %slice3A_405 = vector.extract_strided_slice %add3A_400 {offsets = [0, 4], sizes = [4096, 1], strides = [1, 1]} : vector<4096x8xf32> to vector<4096x1xf32>
      %slice3A_406 = vector.extract_strided_slice %add3A_400 {offsets = [0, 5], sizes = [4096, 1], strides = [1, 1]} : vector<4096x8xf32> to vector<4096x1xf32>
      %slice3A_407 = vector.extract_strided_slice %add3A_400 {offsets = [0, 6], sizes = [4096, 1], strides = [1, 1]} : vector<4096x8xf32> to vector<4096x1xf32>
      %slice3A_408 = vector.extract_strided_slice %add3A_400 {offsets = [0, 7], sizes = [4096, 1], strides = [1, 1]} : vector<4096x8xf32> to vector<4096x1xf32>
      %add3A_409 = arith.addf %slice3A_401, %slice3A_402 : vector<4096x1xf32>
      %add3A_410 = arith.addf %slice3A_403, %slice3A_404 : vector<4096x1xf32>
      %add3A_411 = arith.addf %add3A_409, %add3A_410 : vector<4096x1xf32>
      %add3A_412 = arith.addf %slice3A_405, %slice3A_406 : vector<4096x1xf32>
      %add3A_413 = arith.addf %slice3A_407, %slice3A_408 : vector<4096x1xf32>
      %add3A_414 = arith.addf %add3A_412, %add3A_413 : vector<4096x1xf32>
      %add3A_415 = arith.addf %add3A_411, %add3A_414 : vector<4096x1xf32>
      %swap3A = arith.constant 0 : index
      %swap3A_416 = arith.constant 0 : index
      %swap3A_417 = vector.load %arg8[%swap3A, %swap3A_416] : memref<4096x1xf32, #tpu.memory_space<vmem>>, vector<4096x1xf32>
      tpu.vector_store %arg8[%swap3A, %swap3A_416], %add3A_415 {strides = array<i32>} : memref<4096x1xf32, #tpu.memory_space<vmem>>, vector<4096x1xf32>,
    } else {
    }
    %eq3A_7 = arith.constant 0 : i32
    %eq3A_8 = arith.cmpi eq, %arg0, %eq3A_7 : i32
    %convert_element_type3A_9 = arith.extui %eq3A_8 : i1 to i32
    %cond3A_10 = arith.constant 0 : i32
    %cond3A_11 = arith.cmpi ne, %convert_element_type3A_9, %cond3A_10 : i32
    scf.if %cond3A_11 {
      %mul3A_393 = arith.mulf %get3A_4, %get3A_4 : vector<2048x32xf32>
      %slice3A_394 = vector.extract_strided_slice %mul3A_393 {offsets = [0, 0], sizes = [2048, 8], strides = [1, 1]} : vector<2048x32xf32> to vector<2048x8xf32>
      %slice3A_395 = vector.extract_strided_slice %mul3A_393 {offsets = [0, 8], sizes = [2048, 8], strides = [1, 1]} : vector<2048x32xf32> to vector<2048x8xf32>
      %add3A_396 = arith.addf %slice3A_394, %slice3A_395 : vector<2048x8xf32>
      %slice3A_397 = vector.extract_strided_slice %mul3A_393 {offsets = [0, 16], sizes = [2048, 8], strides = [1, 1]} : vector<2048x32xf32> to vector<2048x8xf32>
      %add3A_398 = arith.addf %add3A_396, %slice3A_397 : vector<2048x8xf32>
      %slice3A_399 = vector.extract_strided_slice %mul3A_393 {offsets = [0, 24], sizes = [2048, 8], strides = [1, 1]} : vector<2048x32xf32> to vector<2048x8xf32>
      %add3A_400 = arith.addf %add3A_398, %slice3A_399 : vector<2048x8xf32>
      %slice3A_401 = vector.extract_strided_slice %add3A_400 {offsets = [0, 0], sizes = [2048, 1], strides = [1, 1]} : vector<2048x8xf32> to vector<2048x1xf32>
      %squeeze3A = vector.shape_cast %slice3A_401 : vector<2048x1xf32> to vector<2048xf32>
      %slice3A_402 = vector.extract_strided_slice %add3A_400 {offsets = [0, 1], sizes = [2048, 1], strides = [1, 1]} : vector<2048x8xf32> to vector<2048x1xf32>
      %squeeze3A_403 = vector.shape_cast %slice3A_402 : vector<2048x1xf32> to vector<2048xf32>
      %slice3A_404 = vector.extract_strided_slice %add3A_400 {offsets = [0, 2], sizes = [2048, 1], strides = [1, 1]} : vector<2048x8xf32> to vector<2048x1xf32>
      %squeeze3A_405 = vector.shape_cast %slice3A_404 : vector<2048x1xf32> to vector<2048xf32>
      %slice3A_406 = vector.extract_strided_slice %add3A_400 {offsets = [0, 3], sizes = [2048, 1], strides = [1, 1]} : vector<2048x8xf32> to vector<2048x1xf32>
      %squeeze3A_407 = vector.shape_cast %slice3A_406 : vector<2048x1xf32> to vector<2048xf32>
      %slice3A_408 = vector.extract_strided_slice %add3A_400 {offsets = [0, 4], sizes = [2048, 1], strides = [1, 1]} : vector<2048x8xf32> to vector<2048x1xf32>
      %squeeze3A_409 = vector.shape_cast %slice3A_408 : vector<2048x1xf32> to vector<2048xf32>
      %slice3A_410 = vector.extract_strided_slice %add3A_400 {offsets = [0, 5], sizes = [2048, 1], strides = [1, 1]} : vector<2048x8xf32> to vector<2048x1xf32>
      %squeeze3A_411 = vector.shape_cast %slice3A_410 : vector<2048x1xf32> to vector<2048xf32>
      %slice3A_412 = vector.extract_strided_slice %add3A_400 {offsets = [0, 6], sizes = [2048, 1], strides = [1, 1]} : vector<2048x8xf32> to vector<2048x1xf32>
      %squeeze3A_413 = vector.shape_cast %slice3A_412 : vector<2048x1xf32> to vector<2048xf32>
      %slice3A_414 = vector.extract_strided_slice %add3A_400 {offsets = [0, 7], sizes = [2048, 1], strides = [1, 1]} : vector<2048x8xf32> to vector<2048x1xf32>
      %squeeze3A_415 = vector.shape_cast %slice3A_414 : vector<2048x1xf32> to vector<2048xf32>
      %add3A_416 = arith.addf %squeeze3A, %squeeze3A_403 : vector<2048xf32>
      %add3A_417 = arith.addf %squeeze3A_405, %squeeze3A_407 : vector<2048xf32>
      %add3A_418 = arith.addf %add3A_416, %add3A_417 : vector<2048xf32>
      %add3A_419 = arith.addf %squeeze3A_409, %squeeze3A_411 : vector<2048xf32>
      %add3A_420 = arith.addf %squeeze3A_413, %squeeze3A_415 : vector<2048xf32>
      %add3A_421 = arith.addf %add3A_419, %add3A_420 : vector<2048xf32>
      %add3A_422 = arith.addf %add3A_418, %add3A_421 : vector<2048xf32>
      %mul3A_423 = arith.constant 2048 : i32
      %mul3A_424 = arith.muli %arg1, %mul3A_423 : i32
      %swap3A = arith.index_cast %mul3A_424 : i32 to index
      %swap3A_425 = vector.load %arg9[%swap3A] : memref<8192xf32, #tpu.memory_space<vmem>>, vector<2048xf32>
      tpu.vector_store %arg9[%swap3A], %add3A_422 {strides = array<i32>} : memref<8192xf32, #tpu.memory_space<vmem>>, vector<2048xf32>,
    } else {
    }
    %get3A_12 = arith.constant 0 : index
    %get3A_13 = arith.constant 0 : index
    %get3A_14 = vector.load %arg8[%get3A_12, %get3A_13] : memref<4096x1xf32, #tpu.memory_space<vmem>>, vector<4096x1xf32>
    %mul3A = arith.constant 2048 : i32
    %mul3A_15 = arith.muli %arg1, %mul3A : i32
    %get3A_16 = arith.index_cast %mul3A_15 : i32 to index
    %get3A_17 = vector.load %arg9[%get3A_16] : memref<8192xf32, #tpu.memory_space<vmem>>, vector<2048xf32>
    %iota3A = tpu.iota {dimensions = array<i32: 1>} : vector<4096x128xi32>
    %slice3A = vector.extract_strided_slice %get3A_4 {offsets = [0, 0], sizes = [512, 32], strides = [1, 1]} : vector<2048x32xf32> to vector<512x32xf32>
    %dot_general3A = arith.constant dense<0.000000e+00> : vector<4096x512xf32>
    %dot_general3A_18 = tpu.matmul %get3A_1, %slice3A, %dot_general3A {dimension_numbers = #tpu.dot_dimension_numbers<[1], [1], [0], [0], [0, 0, 1, 0], [], []>, transpose_lhs_hint = false} : vector<4096x32xf32>, vector<512x32xf32>, vector<4096x512xf32> -> vector<4096x512xf32>
    %slice3A_19 = vector.extract_strided_slice %dot_general3A_18 {offsets = [0, 0], sizes = [4096, 128], strides = [1, 1]} : vector<4096x512xf32> to vector<4096x128xf32>
    %slice3A_20 = vector.extract_strided_slice %get3A_17 {offsets = [0], sizes = [128], strides = [1]} : vector<2048xf32> to vector<128xf32>
    %mul3A_21 = arith.constant 2.000000e+00 : f32
    %mul3A_22 = vector.broadcast %mul3A_21 : f32 to vector<4096x128xf32>
    %mul3A_23 = arith.mulf %mul3A_22, %slice3A_19 : vector<4096x128xf32>
    %sub3A = vector.broadcast %get3A_14 : vector<4096x1xf32> to vector<4096x128xf32>
    %sub3A_24 = arith.subf %sub3A, %mul3A_23 : vector<4096x128xf32>
    %broadcast_in_dim3A = vector.shape_cast %slice3A_20 : vector<128xf32> to vector<1x128xf32>
    %add3A = vector.broadcast %broadcast_in_dim3A : vector<1x128xf32> to vector<4096x128xf32>
    %add3A_25 = arith.addf %sub3A_24, %add3A : vector<4096x128xf32>
    %mul3A_26 = arith.constant 3.125000e-02 : f32
    %mul3A_27 = vector.broadcast %mul3A_26 : f32 to vector<4096x128xf32>
    %mul3A_28 = arith.mulf %add3A_25, %mul3A_27 : vector<4096x128xf32>
    %mul3A_29 = arith.constant 2048 : i32
    %mul3A_30 = arith.muli %arg1, %mul3A_29 : i32
    %add3A_31 = vector.broadcast %mul3A_30 : i32 to vector<4096x128xi32>
    %add3A_32 = arith.addi %iota3A, %add3A_31 : vector<4096x128xi32>
    %slice3A_33 = vector.extract_strided_slice %dot_general3A_18 {offsets = [0, 128], sizes = [4096, 128], strides = [1, 1]} : vector<4096x512xf32> to vector<4096x128xf32>
    %slice3A_34 = vector.extract_strided_slice %get3A_17 {offsets = [128], sizes = [128], strides = [1]} : vector<2048xf32> to vector<128xf32>
    %mul3A_35 = arith.constant 2.000000e+00 : f32
    %mul3A_36 = vector.broadcast %mul3A_35 : f32 to vector<4096x128xf32>
    %mul3A_37 = arith.mulf %mul3A_36, %slice3A_33 : vector<4096x128xf32>
    %sub3A_38 = vector.broadcast %get3A_14 : vector<4096x1xf32> to vector<4096x128xf32>
    %sub3A_39 = arith.subf %sub3A_38, %mul3A_37 : vector<4096x128xf32>
    %broadcast_in_dim3A_40 = vector.shape_cast %slice3A_34 : vector<128xf32> to vector<1x128xf32>
    %add3A_41 = vector.broadcast %broadcast_in_dim3A_40 : vector<1x128xf32> to vector<4096x128xf32>
    %add3A_42 = arith.addf %sub3A_39, %add3A_41 : vector<4096x128xf32>
    %mul3A_43 = arith.constant 3.125000e-02 : f32
    %mul3A_44 = vector.broadcast %mul3A_43 : f32 to vector<4096x128xf32>
    %mul3A_45 = arith.mulf %add3A_42, %mul3A_44 : vector<4096x128xf32>
    %lt3A = arith.cmpf olt, %mul3A_45, %mul3A_28 : vector<4096x128xf32>
    %select_n3A = arith.select %lt3A, %mul3A_45, %mul3A_28 : vector<4096x128xi1>, vector<4096x128xf32>
    %mul3A_46 = arith.constant 2048 : i32
    %mul3A_47 = arith.muli %arg1, %mul3A_46 : i32
    %add3A_48 = arith.constant 128 : i32
    %add3A_49 = arith.addi %mul3A_47, %add3A_48 : i32
    %add3A_50 = vector.broadcast %add3A_49 : i32 to vector<4096x128xi32>
    %add3A_51 = arith.addi %iota3A, %add3A_50 : vector<4096x128xi32>
    %select_n3A_52 = arith.select %lt3A, %add3A_51, %add3A_32 : vector<4096x128xi1>, vector<4096x128xi32>
    %slice3A_53 = vector.extract_strided_slice %dot_general3A_18 {offsets = [0, 256], sizes = [4096, 128], strides = [1, 1]} : vector<4096x512xf32> to vector<4096x128xf32>
    %slice3A_54 = vector.extract_strided_slice %get3A_17 {offsets = [256], sizes = [128], strides = [1]} : vector<2048xf32> to vector<128xf32>
    %mul3A_55 = arith.constant 2.000000e+00 : f32
    %mul3A_56 = vector.broadcast %mul3A_55 : f32 to vector<4096x128xf32>
    %mul3A_57 = arith.mulf %mul3A_56, %slice3A_53 : vector<4096x128xf32>
    %sub3A_58 = vector.broadcast %get3A_14 : vector<4096x1xf32> to vector<4096x128xf32>
    %sub3A_59 = arith.subf %sub3A_58, %mul3A_57 : vector<4096x128xf32>
    %broadcast_in_dim3A_60 = vector.shape_cast %slice3A_54 : vector<128xf32> to vector<1x128xf32>
    %add3A_61 = vector.broadcast %broadcast_in_dim3A_60 : vector<1x128xf32> to vector<4096x128xf32>
    %add3A_62 = arith.addf %sub3A_59, %add3A_61 : vector<4096x128xf32>
    %mul3A_63 = arith.constant 3.125000e-02 : f32
    %mul3A_64 = vector.broadcast %mul3A_63 : f32 to vector<4096x128xf32>
    %mul3A_65 = arith.mulf %add3A_62, %mul3A_64 : vector<4096x128xf32>
    %lt3A_66 = arith.cmpf olt, %mul3A_65, %select_n3A : vector<4096x128xf32>
    %select_n3A_67 = arith.select %lt3A_66, %mul3A_65, %select_n3A : vector<4096x128xi1>, vector<4096x128xf32>
    %mul3A_68 = arith.constant 2048 : i32
    %mul3A_69 = arith.muli %arg1, %mul3A_68 : i32
    %add3A_70 = arith.constant 256 : i32
    %add3A_71 = arith.addi %mul3A_69, %add3A_70 : i32
    %add3A_72 = vector.broadcast %add3A_71 : i32 to vector<4096x128xi32>
    %add3A_73 = arith.addi %iota3A, %add3A_72 : vector<4096x128xi32>
    %select_n3A_74 = arith.select %lt3A_66, %add3A_73, %select_n3A_52 : vector<4096x128xi1>, vector<4096x128xi32>
    %slice3A_75 = vector.extract_strided_slice %dot_general3A_18 {offsets = [0, 384], sizes = [4096, 128], strides = [1, 1]} : vector<4096x512xf32> to vector<4096x128xf32>
    %slice3A_76 = vector.extract_strided_slice %get3A_17 {offsets = [384], sizes = [128], strides = [1]} : vector<2048xf32> to vector<128xf32>
    %mul3A_77 = arith.constant 2.000000e+00 : f32
    %mul3A_78 = vector.broadcast %mul3A_77 : f32 to vector<4096x128xf32>
    %mul3A_79 = arith.mulf %mul3A_78, %slice3A_75 : vector<4096x128xf32>
    %sub3A_80 = vector.broadcast %get3A_14 : vector<4096x1xf32> to vector<4096x128xf32>
    %sub3A_81 = arith.subf %sub3A_80, %mul3A_79 : vector<4096x128xf32>
    %broadcast_in_dim3A_82 = vector.shape_cast %slice3A_76 : vector<128xf32> to vector<1x128xf32>
    %add3A_83 = vector.broadcast %broadcast_in_dim3A_82 : vector<1x128xf32> to vector<4096x128xf32>
    %add3A_84 = arith.addf %sub3A_81, %add3A_83 : vector<4096x128xf32>
    %mul3A_85 = arith.constant 3.125000e-02 : f32
    %mul3A_86 = vector.broadcast %mul3A_85 : f32 to vector<4096x128xf32>
    %mul3A_87 = arith.mulf %add3A_84, %mul3A_86 : vector<4096x128xf32>
    %lt3A_88 = arith.cmpf olt, %mul3A_87, %select_n3A_67 : vector<4096x128xf32>
    %select_n3A_89 = arith.select %lt3A_88, %mul3A_87, %select_n3A_67 : vector<4096x128xi1>, vector<4096x128xf32>
    %mul3A_90 = arith.constant 2048 : i32
    %mul3A_91 = arith.muli %arg1, %mul3A_90 : i32
    %add3A_92 = arith.constant 384 : i32
    %add3A_93 = arith.addi %mul3A_91, %add3A_92 : i32
    %add3A_94 = vector.broadcast %add3A_93 : i32 to vector<4096x128xi32>
    %add3A_95 = arith.addi %iota3A, %add3A_94 : vector<4096x128xi32>
    %select_n3A_96 = arith.select %lt3A_88, %add3A_95, %select_n3A_74 : vector<4096x128xi1>, vector<4096x128xi32>
    %slice3A_97 = vector.extract_strided_slice %get3A_4 {offsets = [512, 0], sizes = [512, 32], strides = [1, 1]} : vector<2048x32xf32> to vector<512x32xf32>
    %dot_general3A_98 = arith.constant dense<0.000000e+00> : vector<4096x512xf32>
    %dot_general3A_99 = tpu.matmul %get3A_1, %slice3A_97, %dot_general3A_98 {dimension_numbers = #tpu.dot_dimension_numbers<[1], [1], [0], [0], [0, 0, 1, 0], [], []>, transpose_lhs_hint = false} : vector<4096x32xf32>, vector<512x32xf32>, vector<4096x512xf32> -> vector<4096x512xf32>
    %slice3A_100 = vector.extract_strided_slice %dot_general3A_99 {offsets = [0, 0], sizes = [4096, 128], strides = [1, 1]} : vector<4096x512xf32> to vector<4096x128xf32>
    %slice3A_101 = vector.extract_strided_slice %get3A_17 {offsets = [512], sizes = [128], strides = [1]} : vector<2048xf32> to vector<128xf32>
    %mul3A_102 = arith.constant 2.000000e+00 : f32
    %mul3A_103 = vector.broadcast %mul3A_102 : f32 to vector<4096x128xf32>
    %mul3A_104 = arith.mulf %mul3A_103, %slice3A_100 : vector<4096x128xf32>
    %sub3A_105 = vector.broadcast %get3A_14 : vector<4096x1xf32> to vector<4096x128xf32>
    %sub3A_106 = arith.subf %sub3A_105, %mul3A_104 : vector<4096x128xf32>
    %broadcast_in_dim3A_107 = vector.shape_cast %slice3A_101 : vector<128xf32> to vector<1x128xf32>
    %add3A_108 = vector.broadcast %broadcast_in_dim3A_107 : vector<1x128xf32> to vector<4096x128xf32>
    %add3A_109 = arith.addf %sub3A_106, %add3A_108 : vector<4096x128xf32>
    %mul3A_110 = arith.constant 3.125000e-02 : f32
    %mul3A_111 = vector.broadcast %mul3A_110 : f32 to vector<4096x128xf32>
    %mul3A_112 = arith.mulf %add3A_109, %mul3A_111 : vector<4096x128xf32>
    %lt3A_113 = arith.cmpf olt, %mul3A_112, %select_n3A_89 : vector<4096x128xf32>
    %select_n3A_114 = arith.select %lt3A_113, %mul3A_112, %select_n3A_89 : vector<4096x128xi1>, vector<4096x128xf32>
    %mul3A_115 = arith.constant 2048 : i32
    %mul3A_116 = arith.muli %arg1, %mul3A_115 : i32
    %add3A_117 = arith.constant 512 : i32
    %add3A_118 = arith.addi %mul3A_116, %add3A_117 : i32
    %add3A_119 = vector.broadcast %add3A_118 : i32 to vector<4096x128xi32>
    %add3A_120 = arith.addi %iota3A, %add3A_119 : vector<4096x128xi32>
    %select_n3A_121 = arith.select %lt3A_113, %add3A_120, %select_n3A_96 : vector<4096x128xi1>, vector<4096x128xi32>
    %slice3A_122 = vector.extract_strided_slice %dot_general3A_99 {offsets = [0, 128], sizes = [4096, 128], strides = [1, 1]} : vector<4096x512xf32> to vector<4096x128xf32>
    %slice3A_123 = vector.extract_strided_slice %get3A_17 {offsets = [640], sizes = [128], strides = [1]} : vector<2048xf32> to vector<128xf32>
    %mul3A_124 = arith.constant 2.000000e+00 : f32
    %mul3A_125 = vector.broadcast %mul3A_124 : f32 to vector<4096x128xf32>
    %mul3A_126 = arith.mulf %mul3A_125, %slice3A_122 : vector<4096x128xf32>
    %sub3A_127 = vector.broadcast %get3A_14 : vector<4096x1xf32> to vector<4096x128xf32>
    %sub3A_128 = arith.subf %sub3A_127, %mul3A_126 : vector<4096x128xf32>
    %broadcast_in_dim3A_129 = vector.shape_cast %slice3A_123 : vector<128xf32> to vector<1x128xf32>
    %add3A_130 = vector.broadcast %broadcast_in_dim3A_129 : vector<1x128xf32> to vector<4096x128xf32>
    %add3A_131 = arith.addf %sub3A_128, %add3A_130 : vector<4096x128xf32>
    %mul3A_132 = arith.constant 3.125000e-02 : f32
    %mul3A_133 = vector.broadcast %mul3A_132 : f32 to vector<4096x128xf32>
    %mul3A_134 = arith.mulf %add3A_131, %mul3A_133 : vector<4096x128xf32>
    %lt3A_135 = arith.cmpf olt, %mul3A_134, %select_n3A_114 : vector<4096x128xf32>
    %select_n3A_136 = arith.select %lt3A_135, %mul3A_134, %select_n3A_114 : vector<4096x128xi1>, vector<4096x128xf32>
    %mul3A_137 = arith.constant 2048 : i32
    %mul3A_138 = arith.muli %arg1, %mul3A_137 : i32
    %add3A_139 = arith.constant 640 : i32
    %add3A_140 = arith.addi %mul3A_138, %add3A_139 : i32
    %add3A_141 = vector.broadcast %add3A_140 : i32 to vector<4096x128xi32>
    %add3A_142 = arith.addi %iota3A, %add3A_141 : vector<4096x128xi32>
    %select_n3A_143 = arith.select %lt3A_135, %add3A_142, %select_n3A_121 : vector<4096x128xi1>, vector<4096x128xi32>
    %slice3A_144 = vector.extract_strided_slice %dot_general3A_99 {offsets = [0, 256], sizes = [4096, 128], strides = [1, 1]} : vector<4096x512xf32> to vector<4096x128xf32>
    %slice3A_145 = vector.extract_strided_slice %get3A_17 {offsets = [768], sizes = [128], strides = [1]} : vector<2048xf32> to vector<128xf32>
    %mul3A_146 = arith.constant 2.000000e+00 : f32
    %mul3A_147 = vector.broadcast %mul3A_146 : f32 to vector<4096x128xf32>
    %mul3A_148 = arith.mulf %mul3A_147, %slice3A_144 : vector<4096x128xf32>
    %sub3A_149 = vector.broadcast %get3A_14 : vector<4096x1xf32> to vector<4096x128xf32>
    %sub3A_150 = arith.subf %sub3A_149, %mul3A_148 : vector<4096x128xf32>
    %broadcast_in_dim3A_151 = vector.shape_cast %slice3A_145 : vector<128xf32> to vector<1x128xf32>
    %add3A_152 = vector.broadcast %broadcast_in_dim3A_151 : vector<1x128xf32> to vector<4096x128xf32>
    %add3A_153 = arith.addf %sub3A_150, %add3A_152 : vector<4096x128xf32>
    %mul3A_154 = arith.constant 3.125000e-02 : f32
    %mul3A_155 = vector.broadcast %mul3A_154 : f32 to vector<4096x128xf32>
    %mul3A_156 = arith.mulf %add3A_153, %mul3A_155 : vector<4096x128xf32>
    %lt3A_157 = arith.cmpf olt, %mul3A_156, %select_n3A_136 : vector<4096x128xf32>
    %select_n3A_158 = arith.select %lt3A_157, %mul3A_156, %select_n3A_136 : vector<4096x128xi1>, vector<4096x128xf32>
    %mul3A_159 = arith.constant 2048 : i32
    %mul3A_160 = arith.muli %arg1, %mul3A_159 : i32
    %add3A_161 = arith.constant 768 : i32
    %add3A_162 = arith.addi %mul3A_160, %add3A_161 : i32
    %add3A_163 = vector.broadcast %add3A_162 : i32 to vector<4096x128xi32>
    %add3A_164 = arith.addi %iota3A, %add3A_163 : vector<4096x128xi32>
    %select_n3A_165 = arith.select %lt3A_157, %add3A_164, %select_n3A_143 : vector<4096x128xi1>, vector<4096x128xi32>
    %slice3A_166 = vector.extract_strided_slice %dot_general3A_99 {offsets = [0, 384], sizes = [4096, 128], strides = [1, 1]} : vector<4096x512xf32> to vector<4096x128xf32>
    %slice3A_167 = vector.extract_strided_slice %get3A_17 {offsets = [896], sizes = [128], strides = [1]} : vector<2048xf32> to vector<128xf32>
    %mul3A_168 = arith.constant 2.000000e+00 : f32
    %mul3A_169 = vector.broadcast %mul3A_168 : f32 to vector<4096x128xf32>
    %mul3A_170 = arith.mulf %mul3A_169, %slice3A_166 : vector<4096x128xf32>
    %sub3A_171 = vector.broadcast %get3A_14 : vector<4096x1xf32> to vector<4096x128xf32>
    %sub3A_172 = arith.subf %sub3A_171, %mul3A_170 : vector<4096x128xf32>
    %broadcast_in_dim3A_173 = vector.shape_cast %slice3A_167 : vector<128xf32> to vector<1x128xf32>
    %add3A_174 = vector.broadcast %broadcast_in_dim3A_173 : vector<1x128xf32> to vector<4096x128xf32>
    %add3A_175 = arith.addf %sub3A_172, %add3A_174 : vector<4096x128xf32>
    %mul3A_176 = arith.constant 3.125000e-02 : f32
    %mul3A_177 = vector.broadcast %mul3A_176 : f32 to vector<4096x128xf32>
    %mul3A_178 = arith.mulf %add3A_175, %mul3A_177 : vector<4096x128xf32>
    %lt3A_179 = arith.cmpf olt, %mul3A_178, %select_n3A_158 : vector<4096x128xf32>
    %select_n3A_180 = arith.select %lt3A_179, %mul3A_178, %select_n3A_158 : vector<4096x128xi1>, vector<4096x128xf32>
    %mul3A_181 = arith.constant 2048 : i32
    %mul3A_182 = arith.muli %arg1, %mul3A_181 : i32
    %add3A_183 = arith.constant 896 : i32
    %add3A_184 = arith.addi %mul3A_182, %add3A_183 : i32
    %add3A_185 = vector.broadcast %add3A_184 : i32 to vector<4096x128xi32>
    %add3A_186 = arith.addi %iota3A, %add3A_185 : vector<4096x128xi32>
    %select_n3A_187 = arith.select %lt3A_179, %add3A_186, %select_n3A_165 : vector<4096x128xi1>, vector<4096x128xi32>
    %slice3A_188 = vector.extract_strided_slice %get3A_4 {offsets = [1024, 0], sizes = [512, 32], strides = [1, 1]} : vector<2048x32xf32> to vector<512x32xf32>
    %dot_general3A_189 = arith.constant dense<0.000000e+00> : vector<4096x512xf32>
    %dot_general3A_190 = tpu.matmul %get3A_1, %slice3A_188, %dot_general3A_189 {dimension_numbers = #tpu.dot_dimension_numbers<[1], [1], [0], [0], [0, 0, 1, 0], [], []>, transpose_lhs_hint = false} : vector<4096x32xf32>, vector<512x32xf32>, vector<4096x512xf32> -> vector<4096x512xf32>
    %slice3A_191 = vector.extract_strided_slice %dot_general3A_190 {offsets = [0, 0], sizes = [4096, 128], strides = [1, 1]} : vector<4096x512xf32> to vector<4096x128xf32>
    %slice3A_192 = vector.extract_strided_slice %get3A_17 {offsets = [1024], sizes = [128], strides = [1]} : vector<2048xf32> to vector<128xf32>
    %mul3A_193 = arith.constant 2.000000e+00 : f32
    %mul3A_194 = vector.broadcast %mul3A_193 : f32 to vector<4096x128xf32>
    %mul3A_195 = arith.mulf %mul3A_194, %slice3A_191 : vector<4096x128xf32>
    %sub3A_196 = vector.broadcast %get3A_14 : vector<4096x1xf32> to vector<4096x128xf32>
    %sub3A_197 = arith.subf %sub3A_196, %mul3A_195 : vector<4096x128xf32>
    %broadcast_in_dim3A_198 = vector.shape_cast %slice3A_192 : vector<128xf32> to vector<1x128xf32>
    %add3A_199 = vector.broadcast %broadcast_in_dim3A_198 : vector<1x128xf32> to vector<4096x128xf32>
    %add3A_200 = arith.addf %sub3A_197, %add3A_199 : vector<4096x128xf32>
    %mul3A_201 = arith.constant 3.125000e-02 : f32
    %mul3A_202 = vector.broadcast %mul3A_201 : f32 to vector<4096x128xf32>
    %mul3A_203 = arith.mulf %add3A_200, %mul3A_202 : vector<4096x128xf32>
    %lt3A_204 = arith.cmpf olt, %mul3A_203, %select_n3A_180 : vector<4096x128xf32>
    %select_n3A_205 = arith.select %lt3A_204, %mul3A_203, %select_n3A_180 : vector<4096x128xi1>, vector<4096x128xf32>
    %mul3A_206 = arith.constant 2048 : i32
    %mul3A_207 = arith.muli %arg1, %mul3A_206 : i32
    %add3A_208 = arith.constant 1024 : i32
    %add3A_209 = arith.addi %mul3A_207, %add3A_208 : i32
    %add3A_210 = vector.broadcast %add3A_209 : i32 to vector<4096x128xi32>
    %add3A_211 = arith.addi %iota3A, %add3A_210 : vector<4096x128xi32>
    %select_n3A_212 = arith.select %lt3A_204, %add3A_211, %select_n3A_187 : vector<4096x128xi1>, vector<4096x128xi32>
    %slice3A_213 = vector.extract_strided_slice %dot_general3A_190 {offsets = [0, 128], sizes = [4096, 128], strides = [1, 1]} : vector<4096x512xf32> to vector<4096x128xf32>
    %slice3A_214 = vector.extract_strided_slice %get3A_17 {offsets = [1152], sizes = [128], strides = [1]} : vector<2048xf32> to vector<128xf32>
    %mul3A_215 = arith.constant 2.000000e+00 : f32
    %mul3A_216 = vector.broadcast %mul3A_215 : f32 to vector<4096x128xf32>
    %mul3A_217 = arith.mulf %mul3A_216, %slice3A_213 : vector<4096x128xf32>
    %sub3A_218 = vector.broadcast %get3A_14 : vector<4096x1xf32> to vector<4096x128xf32>
    %sub3A_219 = arith.subf %sub3A_218, %mul3A_217 : vector<4096x128xf32>
    %broadcast_in_dim3A_220 = vector.shape_cast %slice3A_214 : vector<128xf32> to vector<1x128xf32>
    %add3A_221 = vector.broadcast %broadcast_in_dim3A_220 : vector<1x128xf32> to vector<4096x128xf32>
    %add3A_222 = arith.addf %sub3A_219, %add3A_221 : vector<4096x128xf32>
    %mul3A_223 = arith.constant 3.125000e-02 : f32
    %mul3A_224 = vector.broadcast %mul3A_223 : f32 to vector<4096x128xf32>
    %mul3A_225 = arith.mulf %add3A_222, %mul3A_224 : vector<4096x128xf32>
    %lt3A_226 = arith.cmpf olt, %mul3A_225, %select_n3A_205 : vector<4096x128xf32>
    %select_n3A_227 = arith.select %lt3A_226, %mul3A_225, %select_n3A_205 : vector<4096x128xi1>, vector<4096x128xf32>
    %mul3A_228 = arith.constant 2048 : i32
    %mul3A_229 = arith.muli %arg1, %mul3A_228 : i32
    %add3A_230 = arith.constant 1152 : i32
    %add3A_231 = arith.addi %mul3A_229, %add3A_230 : i32
    %add3A_232 = vector.broadcast %add3A_231 : i32 to vector<4096x128xi32>
    %add3A_233 = arith.addi %iota3A, %add3A_232 : vector<4096x128xi32>
    %select_n3A_234 = arith.select %lt3A_226, %add3A_233, %select_n3A_212 : vector<4096x128xi1>, vector<4096x128xi32>
    %slice3A_235 = vector.extract_strided_slice %dot_general3A_190 {offsets = [0, 256], sizes = [4096, 128], strides = [1, 1]} : vector<4096x512xf32> to vector<4096x128xf32>
    %slice3A_236 = vector.extract_strided_slice %get3A_17 {offsets = [1280], sizes = [128], strides = [1]} : vector<2048xf32> to vector<128xf32>
    %mul3A_237 = arith.constant 2.000000e+00 : f32
    %mul3A_238 = vector.broadcast %mul3A_237 : f32 to vector<4096x128xf32>
    %mul3A_239 = arith.mulf %mul3A_238, %slice3A_235 : vector<4096x128xf32>
    %sub3A_240 = vector.broadcast %get3A_14 : vector<4096x1xf32> to vector<4096x128xf32>
    %sub3A_241 = arith.subf %sub3A_240, %mul3A_239 : vector<4096x128xf32>
    %broadcast_in_dim3A_242 = vector.shape_cast %slice3A_236 : vector<128xf32> to vector<1x128xf32>
    %add3A_243 = vector.broadcast %broadcast_in_dim3A_242 : vector<1x128xf32> to vector<4096x128xf32>
    %add3A_244 = arith.addf %sub3A_241, %add3A_243 : vector<4096x128xf32>
    %mul3A_245 = arith.constant 3.125000e-02 : f32
    %mul3A_246 = vector.broadcast %mul3A_245 : f32 to vector<4096x128xf32>
    %mul3A_247 = arith.mulf %add3A_244, %mul3A_246 : vector<4096x128xf32>
    %lt3A_248 = arith.cmpf olt, %mul3A_247, %select_n3A_227 : vector<4096x128xf32>
    %select_n3A_249 = arith.select %lt3A_248, %mul3A_247, %select_n3A_227 : vector<4096x128xi1>, vector<4096x128xf32>
    %mul3A_250 = arith.constant 2048 : i32
    %mul3A_251 = arith.muli %arg1, %mul3A_250 : i32
    %add3A_252 = arith.constant 1280 : i32
    %add3A_253 = arith.addi %mul3A_251, %add3A_252 : i32
    %add3A_254 = vector.broadcast %add3A_253 : i32 to vector<4096x128xi32>
    %add3A_255 = arith.addi %iota3A, %add3A_254 : vector<4096x128xi32>
    %select_n3A_256 = arith.select %lt3A_248, %add3A_255, %select_n3A_234 : vector<4096x128xi1>, vector<4096x128xi32>
    %slice3A_257 = vector.extract_strided_slice %dot_general3A_190 {offsets = [0, 384], sizes = [4096, 128], strides = [1, 1]} : vector<4096x512xf32> to vector<4096x128xf32>
    %slice3A_258 = vector.extract_strided_slice %get3A_17 {offsets = [1408], sizes = [128], strides = [1]} : vector<2048xf32> to vector<128xf32>
    %mul3A_259 = arith.constant 2.000000e+00 : f32
    %mul3A_260 = vector.broadcast %mul3A_259 : f32 to vector<4096x128xf32>
    %mul3A_261 = arith.mulf %mul3A_260, %slice3A_257 : vector<4096x128xf32>
    %sub3A_262 = vector.broadcast %get3A_14 : vector<4096x1xf32> to vector<4096x128xf32>
    %sub3A_263 = arith.subf %sub3A_262, %mul3A_261 : vector<4096x128xf32>
    %broadcast_in_dim3A_264 = vector.shape_cast %slice3A_258 : vector<128xf32> to vector<1x128xf32>
    %add3A_265 = vector.broadcast %broadcast_in_dim3A_264 : vector<1x128xf32> to vector<4096x128xf32>
    %add3A_266 = arith.addf %sub3A_263, %add3A_265 : vector<4096x128xf32>
    %mul3A_267 = arith.constant 3.125000e-02 : f32
    %mul3A_268 = vector.broadcast %mul3A_267 : f32 to vector<4096x128xf32>
    %mul3A_269 = arith.mulf %add3A_266, %mul3A_268 : vector<4096x128xf32>
    %lt3A_270 = arith.cmpf olt, %mul3A_269, %select_n3A_249 : vector<4096x128xf32>
    %select_n3A_271 = arith.select %lt3A_270, %mul3A_269, %select_n3A_249 : vector<4096x128xi1>, vector<4096x128xf32>
    %mul3A_272 = arith.constant 2048 : i32
    %mul3A_273 = arith.muli %arg1, %mul3A_272 : i32
    %add3A_274 = arith.constant 1408 : i32
    %add3A_275 = arith.addi %mul3A_273, %add3A_274 : i32
    %add3A_276 = vector.broadcast %add3A_275 : i32 to vector<4096x128xi32>
    %add3A_277 = arith.addi %iota3A, %add3A_276 : vector<4096x128xi32>
    %select_n3A_278 = arith.select %lt3A_270, %add3A_277, %select_n3A_256 : vector<4096x128xi1>, vector<4096x128xi32>
    %slice3A_279 = vector.extract_strided_slice %get3A_4 {offsets = [1536, 0], sizes = [512, 32], strides = [1, 1]} : vector<2048x32xf32> to vector<512x32xf32>
    %dot_general3A_280 = arith.constant dense<0.000000e+00> : vector<4096x512xf32>
    %dot_general3A_281 = tpu.matmul %get3A_1, %slice3A_279, %dot_general3A_280 {dimension_numbers = #tpu.dot_dimension_numbers<[1], [1], [0], [0], [0, 0, 1, 0], [], []>, transpose_lhs_hint = false} : vector<4096x32xf32>, vector<512x32xf32>, vector<4096x512xf32> -> vector<4096x512xf32>
    %slice3A_282 = vector.extract_strided_slice %dot_general3A_281 {offsets = [0, 0], sizes = [4096, 128], strides = [1, 1]} : vector<4096x512xf32> to vector<4096x128xf32>
    %slice3A_283 = vector.extract_strided_slice %get3A_17 {offsets = [1536], sizes = [128], strides = [1]} : vector<2048xf32> to vector<128xf32>
    %mul3A_284 = arith.constant 2.000000e+00 : f32
    %mul3A_285 = vector.broadcast %mul3A_284 : f32 to vector<4096x128xf32>
    %mul3A_286 = arith.mulf %mul3A_285, %slice3A_282 : vector<4096x128xf32>
    %sub3A_287 = vector.broadcast %get3A_14 : vector<4096x1xf32> to vector<4096x128xf32>
    %sub3A_288 = arith.subf %sub3A_287, %mul3A_286 : vector<4096x128xf32>
    %broadcast_in_dim3A_289 = vector.shape_cast %slice3A_283 : vector<128xf32> to vector<1x128xf32>
    %add3A_290 = vector.broadcast %broadcast_in_dim3A_289 : vector<1x128xf32> to vector<4096x128xf32>
    %add3A_291 = arith.addf %sub3A_288, %add3A_290 : vector<4096x128xf32>
    %mul3A_292 = arith.constant 3.125000e-02 : f32
    %mul3A_293 = vector.broadcast %mul3A_292 : f32 to vector<4096x128xf32>
    %mul3A_294 = arith.mulf %add3A_291, %mul3A_293 : vector<4096x128xf32>
    %lt3A_295 = arith.cmpf olt, %mul3A_294, %select_n3A_271 : vector<4096x128xf32>
    %select_n3A_296 = arith.select %lt3A_295, %mul3A_294, %select_n3A_271 : vector<4096x128xi1>, vector<4096x128xf32>
    %mul3A_297 = arith.constant 2048 : i32
    %mul3A_298 = arith.muli %arg1, %mul3A_297 : i32
    %add3A_299 = arith.constant 1536 : i32
    %add3A_300 = arith.addi %mul3A_298, %add3A_299 : i32
    %add3A_301 = vector.broadcast %add3A_300 : i32 to vector<4096x128xi32>
    %add3A_302 = arith.addi %iota3A, %add3A_301 : vector<4096x128xi32>
    %select_n3A_303 = arith.select %lt3A_295, %add3A_302, %select_n3A_278 : vector<4096x128xi1>, vector<4096x128xi32>
    %slice3A_304 = vector.extract_strided_slice %dot_general3A_281 {offsets = [0, 128], sizes = [4096, 128], strides = [1, 1]} : vector<4096x512xf32> to vector<4096x128xf32>
    %slice3A_305 = vector.extract_strided_slice %get3A_17 {offsets = [1664], sizes = [128], strides = [1]} : vector<2048xf32> to vector<128xf32>
    %mul3A_306 = arith.constant 2.000000e+00 : f32
    %mul3A_307 = vector.broadcast %mul3A_306 : f32 to vector<4096x128xf32>
    %mul3A_308 = arith.mulf %mul3A_307, %slice3A_304 : vector<4096x128xf32>
    %sub3A_309 = vector.broadcast %get3A_14 : vector<4096x1xf32> to vector<4096x128xf32>
    %sub3A_310 = arith.subf %sub3A_309, %mul3A_308 : vector<4096x128xf32>
    %broadcast_in_dim3A_311 = vector.shape_cast %slice3A_305 : vector<128xf32> to vector<1x128xf32>
    %add3A_312 = vector.broadcast %broadcast_in_dim3A_311 : vector<1x128xf32> to vector<4096x128xf32>
    %add3A_313 = arith.addf %sub3A_310, %add3A_312 : vector<4096x128xf32>
    %mul3A_314 = arith.constant 3.125000e-02 : f32
    %mul3A_315 = vector.broadcast %mul3A_314 : f32 to vector<4096x128xf32>
    %mul3A_316 = arith.mulf %add3A_313, %mul3A_315 : vector<4096x128xf32>
    %lt3A_317 = arith.cmpf olt, %mul3A_316, %select_n3A_296 : vector<4096x128xf32>
    %select_n3A_318 = arith.select %lt3A_317, %mul3A_316, %select_n3A_296 : vector<4096x128xi1>, vector<4096x128xf32>
    %mul3A_319 = arith.constant 2048 : i32
    %mul3A_320 = arith.muli %arg1, %mul3A_319 : i32
    %add3A_321 = arith.constant 1664 : i32
    %add3A_322 = arith.addi %mul3A_320, %add3A_321 : i32
    %add3A_323 = vector.broadcast %add3A_322 : i32 to vector<4096x128xi32>
    %add3A_324 = arith.addi %iota3A, %add3A_323 : vector<4096x128xi32>
    %select_n3A_325 = arith.select %lt3A_317, %add3A_324, %select_n3A_303 : vector<4096x128xi1>, vector<4096x128xi32>
    %slice3A_326 = vector.extract_strided_slice %dot_general3A_281 {offsets = [0, 256], sizes = [4096, 128], strides = [1, 1]} : vector<4096x512xf32> to vector<4096x128xf32>
    %slice3A_327 = vector.extract_strided_slice %get3A_17 {offsets = [1792], sizes = [128], strides = [1]} : vector<2048xf32> to vector<128xf32>
    %mul3A_328 = arith.constant 2.000000e+00 : f32
    %mul3A_329 = vector.broadcast %mul3A_328 : f32 to vector<4096x128xf32>
    %mul3A_330 = arith.mulf %mul3A_329, %slice3A_326 : vector<4096x128xf32>
    %sub3A_331 = vector.broadcast %get3A_14 : vector<4096x1xf32> to vector<4096x128xf32>
    %sub3A_332 = arith.subf %sub3A_331, %mul3A_330 : vector<4096x128xf32>
    %broadcast_in_dim3A_333 = vector.shape_cast %slice3A_327 : vector<128xf32> to vector<1x128xf32>
    %add3A_334 = vector.broadcast %broadcast_in_dim3A_333 : vector<1x128xf32> to vector<4096x128xf32>
    %add3A_335 = arith.addf %sub3A_332, %add3A_334 : vector<4096x128xf32>
    %mul3A_336 = arith.constant 3.125000e-02 : f32
    %mul3A_337 = vector.broadcast %mul3A_336 : f32 to vector<4096x128xf32>
    %mul3A_338 = arith.mulf %add3A_335, %mul3A_337 : vector<4096x128xf32>
    %lt3A_339 = arith.cmpf olt, %mul3A_338, %select_n3A_318 : vector<4096x128xf32>
    %select_n3A_340 = arith.select %lt3A_339, %mul3A_338, %select_n3A_318 : vector<4096x128xi1>, vector<4096x128xf32>
    %mul3A_341 = arith.constant 2048 : i32
    %mul3A_342 = arith.muli %arg1, %mul3A_341 : i32
    %add3A_343 = arith.constant 1792 : i32
    %add3A_344 = arith.addi %mul3A_342, %add3A_343 : i32
    %add3A_345 = vector.broadcast %add3A_344 : i32 to vector<4096x128xi32>
    %add3A_346 = arith.addi %iota3A, %add3A_345 : vector<4096x128xi32>
    %select_n3A_347 = arith.select %lt3A_339, %add3A_346, %select_n3A_325 : vector<4096x128xi1>, vector<4096x128xi32>
    %slice3A_348 = vector.extract_strided_slice %dot_general3A_281 {offsets = [0, 384], sizes = [4096, 128], strides = [1, 1]} : vector<4096x512xf32> to vector<4096x128xf32>
    %slice3A_349 = vector.extract_strided_slice %get3A_17 {offsets = [1920], sizes = [128], strides = [1]} : vector<2048xf32> to vector<128xf32>
    %mul3A_350 = arith.constant 2.000000e+00 : f32
    %mul3A_351 = vector.broadcast %mul3A_350 : f32 to vector<4096x128xf32>
    %mul3A_352 = arith.mulf %mul3A_351, %slice3A_348 : vector<4096x128xf32>
    %sub3A_353 = vector.broadcast %get3A_14 : vector<4096x1xf32> to vector<4096x128xf32>
    %sub3A_354 = arith.subf %sub3A_353, %mul3A_352 : vector<4096x128xf32>
    %broadcast_in_dim3A_355 = vector.shape_cast %slice3A_349 : vector<128xf32> to vector<1x128xf32>
    %add3A_356 = vector.broadcast %broadcast_in_dim3A_355 : vector<1x128xf32> to vector<4096x128xf32>
    %add3A_357 = arith.addf %sub3A_354, %add3A_356 : vector<4096x128xf32>
    %mul3A_358 = arith.constant 3.125000e-02 : f32
    %mul3A_359 = vector.broadcast %mul3A_358 : f32 to vector<4096x128xf32>
    %mul3A_360 = arith.mulf %add3A_357, %mul3A_359 : vector<4096x128xf32>
    %lt3A_361 = arith.cmpf olt, %mul3A_360, %select_n3A_340 : vector<4096x128xf32>
    %select_n3A_362 = arith.select %lt3A_361, %mul3A_360, %select_n3A_340 : vector<4096x128xi1>, vector<4096x128xf32>
    %mul3A_363 = arith.constant 2048 : i32
    %mul3A_364 = arith.muli %arg1, %mul3A_363 : i32
    %add3A_365 = arith.constant 1920 : i32
    %add3A_366 = arith.addi %mul3A_364, %add3A_365 : i32
    %add3A_367 = vector.broadcast %add3A_366 : i32 to vector<4096x128xi32>
    %add3A_368 = arith.addi %iota3A, %add3A_367 : vector<4096x128xi32>
    %select_n3A_369 = arith.select %lt3A_361, %add3A_368, %select_n3A_347 : vector<4096x128xi1>, vector<4096x128xi32>
    %reduce_min3A = arith.constant dense<0x7F800000> : vector<4096xf32>
    %reduce_min3A_370 = vector.multi_reduction <minimumf>, %select_n3A_362, %reduce_min3A [1] : vector<4096x128xf32> to vector<4096xf32>
    %broadcast_in_dim3A_371 = vector.shape_cast %reduce_min3A_370 : vector<4096xf32> to vector<4096x1xf32>
    %eq3A_372 = vector.broadcast %broadcast_in_dim3A_371 : vector<4096x1xf32> to vector<4096x128xf32>
    %eq3A_373 = arith.cmpf oeq, %select_n3A_362, %eq3A_372 : vector<4096x128xf32>
    %jit3A = arith.constant 1073741824 : i32
    %broadcast_in_dim3A_374 = vector.broadcast %jit3A : i32 to vector<4096x128xi32>
    %select_n3A_375 = arith.select %eq3A_373, %select_n3A_369, %broadcast_in_dim3A_374 : vector<4096x128xi1>, vector<4096x128xi32>
    %reduce_min3A_376 = arith.constant dense<2147483647> : vector<4096xi32>
    %reduce_min3A_377 = vector.multi_reduction <minsi>, %select_n3A_375, %reduce_min3A_376 [1] : vector<4096x128xi32> to vector<4096xi32>
    %broadcast_in_dim3A_378 = vector.shape_cast %reduce_min3A_377 : vector<4096xi32> to vector<4096x1xi32>
    %eq3A_379 = arith.constant 0 : i32
    %eq3A_380 = arith.cmpi eq, %arg1, %eq3A_379 : i32
    %convert_element_type3A_381 = arith.extui %eq3A_380 : i1 to i32
    %cond3A_382 = arith.constant 0 : i32
    %cond3A_383 = arith.cmpi ne, %convert_element_type3A_381, %cond3A_382 : i32
    scf.if %cond3A_383 {
      %convert_element_type3A_393 = arith.truncf %broadcast_in_dim3A_371 : vector<4096x1xf32> to vector<4096x1xbf16>
      %swap3A = arith.constant 0 : index
      %swap3A_394 = arith.constant 0 : index
      %swap3A_395 = vector.load %arg6[%swap3A, %swap3A_394] : memref<4096x1xbf16, #tpu.memory_space<vmem>>, vector<4096x1xbf16>
      tpu.vector_store %arg6[%swap3A, %swap3A_394], %convert_element_type3A_393 {strides = array<i32>} : memref<4096x1xbf16, #tpu.memory_space<vmem>>, vector<4096x1xbf16>,
      %swap3A_396 = arith.constant 0 : index
      %swap3A_397 = arith.constant 0 : index
      %swap3A_398 = vector.load %arg7[%swap3A_396, %swap3A_397] : memref<4096x1xi32, #tpu.memory_space<vmem>>, vector<4096x1xi32>
      tpu.vector_store %arg7[%swap3A_396, %swap3A_397], %broadcast_in_dim3A_378 {strides = array<i32>} : memref<4096x1xi32, #tpu.memory_space<vmem>>, vector<4096x1xi32>,
    } else {
    }
    %gt3A = arith.constant 0 : i32
    %gt3A_384 = arith.cmpi sgt, %arg1, %gt3A : i32
    %convert_element_type3A_385 = arith.extui %gt3A_384 : i1 to i32
    %cond3A_386 = arith.constant 0 : i32
    %cond3A_387 = arith.cmpi ne, %convert_element_type3A_385, %cond3A_386 : i32
    scf.if %cond3A_387 {
      %get3A_393 = arith.constant 0 : index
      %get3A_394 = arith.constant 0 : index
      %get3A_395 = vector.load %arg6[%get3A_393, %get3A_394] : memref<4096x1xbf16, #tpu.memory_space<vmem>>, vector<4096x1xbf16>
      %convert_element_type3A_396 = arith.extf %get3A_395 : vector<4096x1xbf16> to vector<4096x1xf32>
      %lt3A_397 = arith.cmpf olt, %broadcast_in_dim3A_371, %convert_element_type3A_396 : vector<4096x1xf32>
      %select_n3A_398 = arith.select %lt3A_397, %broadcast_in_dim3A_371, %convert_element_type3A_396 : vector<4096x1xi1>, vector<4096x1xf32>
      %convert_element_type3A_399 = arith.truncf %select_n3A_398 : vector<4096x1xf32> to vector<4096x1xbf16>
      %swap3A = arith.constant 0 : index
      %swap3A_400 = arith.constant 0 : index
      %swap3A_401 = vector.load %arg6[%swap3A, %swap3A_400] : memref<4096x1xbf16, #tpu.memory_space<vmem>>, vector<4096x1xbf16>
      tpu.vector_store %arg6[%swap3A, %swap3A_400], %convert_element_type3A_399 {strides = array<i32>} : memref<4096x1xbf16, #tpu.memory_space<vmem>>, vector<4096x1xbf16>,
      %get3A_402 = arith.constant 0 : index
      %get3A_403 = arith.constant 0 : index
      %get3A_404 = vector.load %arg7[%get3A_402, %get3A_403] : memref<4096x1xi32, #tpu.memory_space<vmem>>, vector<4096x1xi32>
      %select_n3A_405 = arith.select %lt3A_397, %broadcast_in_dim3A_378, %get3A_404 : vector<4096x1xi1>, vector<4096x1xi32>
      %swap3A_406 = arith.constant 0 : index
      %swap3A_407 = arith.constant 0 : index
      %swap3A_408 = vector.load %arg7[%swap3A_406, %swap3A_407] : memref<4096x1xi32, #tpu.memory_space<vmem>>, vector<4096x1xi32>
      tpu.vector_store %arg7[%swap3A_406, %swap3A_407], %select_n3A_405 {strides = array<i32>} : memref<4096x1xi32, #tpu.memory_space<vmem>>, vector<4096x1xi32>,
    } else {
    }
    %eq3A_388 = arith.constant 3 : i32
    %eq3A_389 = arith.cmpi eq, %arg1, %eq3A_388 : i32
    %convert_element_type3A_390 = arith.extui %eq3A_389 : i1 to i32
    %cond3A_391 = arith.constant 0 : i32
    %cond3A_392 = arith.cmpi ne, %convert_element_type3A_390, %cond3A_391 : i32
    scf.if %cond3A_392 {
      %get3A_393 = arith.constant 0 : index
      %get3A_394 = arith.constant 0 : index
      %get3A_395 = vector.load %arg7[%get3A_393, %get3A_394] : memref<4096x1xi32, #tpu.memory_space<vmem>>, vector<4096x1xi32>
      %squeeze3A = vector.shape_cast %get3A_395 : vector<4096x1xi32> to vector<4096xi32>
      %swap3A = arith.constant 0 : index
      %swap3A_396 = arith.constant 0 : index
      %swap3A_397 = arith.constant 0 : index
      %swap3A_398 = vector.load %arg4[%swap3A, %swap3A_396, %swap3A_397] : memref<1x1x4096xi32, #tpu.memory_space<vmem>>, vector<1x1x4096xi32>
      %swap3A_399 = vector.shape_cast %swap3A_398 : vector<1x1x4096xi32> to vector<4096xi32>
      %swap3A_400 = vector.shape_cast %squeeze3A : vector<4096xi32> to vector<1x1x4096xi32>
      tpu.vector_store %arg4[%swap3A, %swap3A_396, %swap3A_397], %swap3A_400 {strides = array<i32>} : memref<1x1x4096xi32, #tpu.memory_space<vmem>>, vector<1x1x4096xi32>,
      %get3A_401 = arith.constant 0 : index
      %get3A_402 = arith.constant 0 : index
      %get3A_403 = vector.load %arg6[%get3A_401, %get3A_402] : memref<4096x1xbf16, #tpu.memory_space<vmem>>, vector<4096x1xbf16>
      %convert_element_type3A_404 = arith.extf %get3A_403 : vector<4096x1xbf16> to vector<4096x1xf32>
      %reduce_sum3A = vector.shape_cast %convert_element_type3A_404 : vector<4096x1xf32> to vector<1x4096x1xf32>
      %reduce_sum3A_405 = arith.constant dense<0.000000e+00> : vector<1xf32>
      %reduce_sum3A_406 = vector.multi_reduction <add>, %reduce_sum3A, %reduce_sum3A_405 [1, 2] : vector<1x4096x1xf32> to vector<1xf32>
      %reduce_sum3A_407 = vector.shape_cast %reduce_sum3A_406 : vector<1xf32> to vector<1x1x1xf32>
      %reduce_sum3A_408 = vector.extract %reduce_sum3A_407[0, 0, 0] : f32 from vector<1x1x1xf32>
      %eq3A_409 = arith.constant 0 : i32
      %eq3A_410 = arith.cmpi eq, %arg0, %eq3A_409 : i32
      %get3A_411 = arith.constant 0 : index
      %get3A_412 = arith.constant 0 : index
      %get3A_413 = memref.load %arg5[%get3A_411, %get3A_412] : memref<1x1xf32, #tpu.memory_space<smem>>
      %jit3A_414 = arith.constant 0.000000e+00 : f32
      %select_n3A_415 = arith.select %eq3A_410, %jit3A_414, %get3A_413 : f32
      %add3A_416 = arith.addf %select_n3A_415, %reduce_sum3A_408 : f32
      %eq3A_417 = arith.constant 1 : i32
      %eq3A_418 = arith.cmpi eq, %arg0, %eq3A_417 : i32
      %jit3A_419 = arith.constant 1.52587891E-4 : f32
      %jit3A_420 = arith.constant 1.000000e+00 : f32
      %select_n3A_421 = arith.select %eq3A_418, %jit3A_419, %jit3A_420 : f32
      %mul3A_422 = arith.mulf %add3A_416, %select_n3A_421 : f32
      %swap3A_423 = arith.constant 0 : index
      %swap3A_424 = arith.constant 0 : index
      %swap3A_425 = memref.load %arg5[%swap3A_423, %swap3A_424] : memref<1x1xf32, #tpu.memory_space<smem>>
      memref.store %mul3A_422, %arg5[%swap3A_423, %swap3A_424] : memref<1x1xf32, #tpu.memory_space<smem>>
    } else {
    }
    return
  }
  func.func @transform_0(%arg0: i32, %arg1: i32) -> (i32, i32) {
    %c0_i32 = arith.constant 0 : i32
    %c0_i32_0 = arith.constant 0 : i32
    return %arg0, %c0_i32 : i32, i32
  }
  func.func @transform_1(%arg0: i32, %arg1: i32) -> (i32, i32) {
    %c0_i32 = arith.constant 0 : i32
    %c0_i32_0 = arith.constant 0 : i32
    return %arg1, %c0_i32 : i32, i32
  }
  func.func @transform_2(%arg0: i32, %arg1: i32) -> (i32, i32, i32) {
    %c0_i32 = arith.constant 0 : i32
    %c0_i32_0 = arith.constant 0 : i32
    %c0_i32_1 = arith.constant 0 : i32
    return %arg0, %c0_i32, %c0_i32_0 : i32, i32, i32
  }
  func.func @transform_3(%arg0: i32, %arg1: i32) -> (i32, i32) {
    %c0_i32 = arith.constant 0 : i32
    %c0_i32_0 = arith.constant 0 : i32
    %c0_i32_1 = arith.constant 0 : i32
    return %c0_i32, %c0_i32_0 : i32, i32
  }
}

</mosaic_0001>

<sc_bundles>
// kernel: kernel.4.cloned.1.call-start
scs
__scs_entry_jumppad:
0x0: {  	(pc) =	sbr.rel $0x88, $3  }
0x1: {  	(tag) =	ssettag $0x0;
	lr =	simm.s32 $0x1  }
0x2: {  	[smem:$0x3F9F] =	sst lr;
	_ =	strace $0xD0000000  }
0x3: {  	_ = 	snop  }
0x4: {  	_ = 	snop  }
0x5: {  	_ = 	snop  }
0x6: {  	_ = 	snop  }
0x7: {  	_ = 	snop  }
__scs_overlays_trampoline_lowered:
0x8: {  	[smem:$0x3FAE] =	sst s0  }
0x9: {  	[smem:$0x3FAF] =	sst s1  }
0xa: {  	[smem:$0x3FB0] =	sst s2  }
0xb: {  	[smem:$0x3FB1] =	sst s3  }
0xc: {  	[smem:$0x3FB2] =	sst s4  }
0xd: {  	[smem:$0x3FB3] =	sst s5  }
0xe: {  	[smem:$0x3FB4] =	sst s6  }
0xf: {  	[smem:$0x3FB5] =	sst s7  }
0x10: {  	[smem:$0x3FB6] =	sst s8  }
0x11: {  	[smem:$0x3FB7] =	sst s9;
	s0 =	simm.s32 @!p0 $0x0  }
0x12: {  	s1 =	sld [smem:$0x3F9D];
	s0 =	simm.s32 @p0 $0x1  }
0x13: {  	[smem:$0x3FB8] =	sst s0;
	s0 =	simm.s32 @!p1 $0x0  }
0x14: {  	s2 =	sld [smem:$0x3F9C];
	s0 =	simm.s32 @p1 $0x1  }
0x15: {  	[smem:$0x3FB9] =	sst s0;
	s0 =	simm.s32 @!p2 $0x0  }
0x16: {  	s3 =	sld [smem:$0x3FDB];
	s0 =	simm.s32 @p2 $0x1  }
0x17: {  	s4 =	simm.s32 $0x1BF5;
	[smem:$0x3FBB] =	sst s0  }
0x18: {  	s0 =	sld [smem:$0x3F9E];
	_ =	swait.ge [sflag:s4], $0x0  }
0x19: {  	s7 =	sld [smem:$0x3F9F]  }
0x1a: {  	s8 =	sadd.s32 $0xFFFFE003, lr  }
0x1b: {  	s9 =	sadd.s32 $0xFFFFFEF7, lr;
	s5 =	simm.s32 $0xFFFFFFFF;
	p2 =	slt.u32 s8, $0xFFFFF086  }
0x1c: {  	p1 =	slt.u32 s9, $0xF7A;
	s5 =	simm.s32 @!p2 $0x0  }
0x1d: {  	s5 =	simm.s32 @p1 $0x1;
	p0 =	seq.s32 s7, s2  }
0x1e: {  	s7 =	smul.u32 @!p0 $0xF7A, s2;
	p2 =	seq.s32 @!p0 s5, $0x0  }
0x1f: {  	s9 =	smul.u32 $0xF7A, s1;
	s8 =	simm.s32 @!p0 $0x1BF5;
	p2 =	por !p2, p0  }
0x20: {  	[sflag:s8] =	ssyncset.s32 @!p0 $0xFFFFF086;
	s6 =	sadd.s32 @!p0 s3, s7;
	s7 =	simm.s32 @!p0 $0x108  }
0x21: {  	s3 =	sadd.s32 s3, s9;
	s6 =	sadd.s32 @!p0 $0x88, s6;
	s7 =	simm.s32 @p2 $0x1082  }
0x22: {  	[simem:s7], [sflag:s8] =	dma.local @!p0 [hbm:s6], $0xF7A  }
0x23: {  	s9 =	sor.u32 $0xD0000000, s2;
	s6 =	simm.s32 $0x108;
	_ =	swait.ge @!p0 [sflag:s8], $0x0  }
0x24: {  	s3 =	sadd.s32 $0x88, s3;
	s6 =	simm.s32 @!p1 $0x1082;
	[sflag:s4] =	ssyncset.s32 $0xFFFFF086  }
0x25: {  	[simem:s6], [sflag:s4] =	dma.local [hbm:s3], $0xF7A  }
0x26: {  	[smem:$0x3F9F] =	sst s1;
	(tag) =	ssettag s2;
	_ =	strace s9  }
0x27: {  	s1 =	sld [smem:$0x3FAF]  }
0x28: {  	s2 =	sld [smem:$0x3FB0]  }
0x29: {  	s4 =	sld [smem:$0x3FB2]  }
0x2a: {  	p0 =	seq.s32 s5, $0x0;
	s5 =	sld [smem:$0x3FB3]  }
0x2b: {  	s6 =	sld [smem:$0x3FB4]  }
0x2c: {  	s7 =	sld [smem:$0x3FB5]  }
0x2d: {  	s3 =	simm.s32 $0x108;
	s8 =	sld [smem:$0x3FB6]  }
0x2e: {  	s3 =	simm.s32 @!p0 $0x1082;
	s9 =	sld [smem:$0x3FB7]  }
0x2f: {  	lr =	sadd.s32 s0, s3;
	s0 =	sld [smem:$0x3FAE]  }
0x30: {  	s3 =	sld [smem:$0x3FB1]  }
0x31: {  	[smem:$0x3FBA] =	sst s10  }
0x32: {  	s10 =	sld [smem:$0x3FB8];
	_ =	sdelay $0x3  }
0x33: {  	p0 =	seq.s32 s10, $0x1;
	s10 =	sld [smem:$0x3FBA];
	_ =	sdelay $0x3  }
0x34: {  	[smem:$0x3FBA] =	sst s10  }
0x35: {  	s10 =	sld [smem:$0x3FB9];
	_ =	sdelay $0x3  }
0x36: {  	p1 =	seq.s32 s10, $0x1;
	s10 =	sld [smem:$0x3FBA];
	_ =	sdelay $0x3  }
0x37: {  	[smem:$0x3FBA] =	sst s10  }
0x38: {  	s10 =	sld [smem:$0x3FBB]  }
0x39: {  	_ = 	snop;
	(pc) =	sbr.ind lr, $3  }
0x3a: {  	_ = 	snop  }
0x3b: {  	_ = 	snop  }
0x3c: {  	p2 =	seq.s32 s10, $0x1;
	s10 =	sld [smem:$0x3FBA]  }
0x3d: {  	_ =	shalt  }
0x3e: {  	_ =	shalt  }
0x3f: {  	_ =	shalt  }
0x40: {  	_ =	shalt  }
0x41: {  	_ =	shalt  }
0x42: {  	_ =	shalt  }
0x43: {  	_ =	shalt  }
0x44: {  	_ =	shalt  }
0x45: {  	_ =	shalt  }
0x46: {  	_ =	shalt  }
0x47: {  	_ =	shalt  }
0x48: {  	_ =	shalt  }
0x49: {  	_ =	shalt  }
0x4a: {  	_ =	shalt  }
0x4b: {  	_ =	shalt  }
0x4c: {  	_ =	shalt  }
0x4d: {  	_ =	shalt  }
0x4e: {  	_ =	shalt  }
0x4f: {  	_ =	shalt  }
0x50: {  	_ =	shalt  }
0x51: {  	_ =	shalt  }
0x52: {  	_ =	shalt  }
0x53: {  	_ =	shalt  }
0x54: {  	_ =	shalt  }
0x55: {  	_ =	shalt  }
0x56: {  	_ =	shalt  }
0x57: {  	_ =	shalt  }
0x58: {  	_ =	shalt  }
0x59: {  	_ =	shalt  }
0x5a: {  	_ =	shalt  }
0x5b: {  	_ =	shalt  }
0x5c: {  	_ =	shalt  }
0x5d: {  	_ =	shalt  }
0x5e: {  	_ =	shalt  }
0x5f: {  	_ =	shalt  }
0x60: {  	_ =	shalt  }
0x61: {  	_ =	shalt  }
0x62: {  	_ =	shalt  }
0x63: {  	_ =	shalt  }
0x64: {  	_ =	shalt  }
0x65: {  	_ =	shalt  }
0x66: {  	_ =	shalt  }
0x67: {  	_ =	shalt  }
0x68: {  	_ =	shalt  }
0x69: {  	_ =	shalt  }
0x6a: {  	_ =	shalt  }
0x6b: {  	_ =	shalt  }
0x6c: {  	_ =	shalt  }
0x6d: {  	_ =	shalt  }
0x6e: {  	_ =	shalt  }
0x6f: {  	_ =	shalt  }
0x70: {  	_ =	shalt  }
0x71: {  	_ =	shalt  }
0x72: {  	_ =	shalt  }
0x73: {  	_ =	shalt  }
0x74: {  	_ =	shalt  }
0x75: {  	_ =	shalt  }
0x76: {  	_ =	shalt  }
0x77: {  	_ =	shalt  }
0x78: {  	_ =	shalt  }
0x79: {  	_ =	shalt  }
0x7a: {  	_ =	shalt  }
0x7b: {  	_ =	shalt  }
0x7c: {  	_ =	shalt  }
0x7d: {  	_ =	shalt  }
0x7e: {  	_ =	shalt  }
0x7f: {  	_ =	shalt  }
0x80: {  	_ =	shalt  }
0x81: {  	_ =	shalt  }
0x82: {  	_ =	shalt  }
0x83: {  	_ =	shalt  }
0x84: {  	_ =	shalt  }
0x85: {  	_ =	shalt  }
0x86: {  	_ =	shalt  }
0x87: {  	_ =	shalt  }
.Lfunc_end0:
.L_simem_size_0:
called_computation_lowered:
.L_overlay_start_0:
0x88: {  	s2 =	sld [smem:$0x3FD9]  }
0x89: {  	s3 =	sld [smem:$0x3FFE];
	_ =	sdelay $0x1  }
0x8a: {  	s1 =	srdreg.scid  }
0x8b: {  	s0 =	sand.u32 $0x1, s1  }
0x8c: {  	s14 =	sshll.u32 s0, $0xA;
	s2 =	sadd.s32 s3, s2  }
0x8d: {  	s2 =	sadd.s32 s2, s14  }
0x8e: {  	[smem:$0x3FC6] =	sst s2  }
0x8f: {  	_ = 	snop  }
0x90: {  	s2 =	sld [smem:$0x3FD0];
	_ =	sdelay $0x2  }
0x91: {  	s15 =	simm.s32 $0xA;
	s4 =	simm.s32 $0x10  }
0x92: {  	[smem:s4], [sflag:s15] =	dma.local [hbm:s2], $0x1  }
0x93: {  	_ =	swait.eq [sflag:s15], $0x1  }
0x94: {  	[sflag:s15] =	ssyncset.done $0x0  }
0x95: {  	s16 =	sld [smem:$0x11];
	[sflag:s15] =	ssyncadd.s32 $0xFFFFFFFF  }
0x96: {  	s17 =	sld [smem:$0x12];
	(tm) =	ssettm $0x1  }
0x97: {  	s18 =	sld [smem:$0x3FFB];
	_ =	sdelay $0x3  }
0x98: {  	_ =	strace s18  }
0x99: {  	s4 =	sld [smem:$0x3FFC];
	_ =	sdelay $0x3  }
0x9a: {  	_ =	strace s4  }
0x9b: {  	s4 =	sld [smem:$0x3FFD];
	_ =	sdelay $0x3  }
0x9c: {  	_ =	strace s4  }
0x9d: {  	_ =	strace $0x8FFFFFFF  }
0x9e: {  	s19 =	sld [smem:$0x3FDB];
	_ =	sdelay $0x1  }
0x9f: {  	s5 =	simm.s32 $_scs_section_size  }
0xa0: {  	s6 =	simm.s32 $_size__tile_overlayer_lowered;
	s7 =	simm.s32 $_tile_overlayer_lowered  }
0xa1: {  	s22 =	simm.s32 $0x1BFF;
	s21 =	sshll.u32 s7, $0x1;
	s4 =	sadd.s32 s5, s19  }
0xa2: {  	s8 =	simm.s32 $0x0;
	s20 =	sshll.u32 s6, $0x1;
	s6 =	sadd.s32 s21, s4  }
0xa3: {  	[timem:s8], [sflag:s22] =	dma.local [hbm:s6], s20  }
0xa4: {  	_ =	swait.ge [sflag:s22], s20  }
0xa5: {  	s5 =	ssub.s32 $0x0, s20;
	[sflag:s22] =	ssyncset.done $0x0  }
0xa6: {  	[sflag:s22] =	ssyncadd.s32 s5;
	_ =	sdelay $0x1  }
0xa7: {  	s23 =	simm.s32 $0x1B8B  }
0xa8: {  	_ =	swait.ge [sflag:s23], $0x1  }
0xa9: {  	[sflag:s23] =	ssyncset.done $0x0  }
0xaa: {  	s25 =	simm.s32 $0x1B8E;
	s24 =	sld [smem:$0x3FFE];
	[sflag:s23] =	ssyncadd.s32 $0xFFFFFFFF  }
0xab: {  	s26 =	simm.s32 $execute0_lowered;
	[smem:$0x3FD2] =	sst s25  }
0xac: {  	s6 =	sshll.u32 s26, $0x1;
	_ =	strace $0x80000046;
	[dreg:$0x1] =	wrdreg $0xFFFFFFFF  }
0xad: {  	s28 =	simm.s32 $_size_execute0_lowered;
	s4 =	sadd.s32 s4, s6;
	[dreg:$0x0] =	wrdreg $0x0  }
0xae: {  	s6 =	sshll.u32 s28, $0x1;
	[dreg:$0x2] =	wrdreg s4  }
0xaf: {  	[dreg:$0x3] =	wrdreg s6  }
0xb0: {  	[dreg:$0x4] =	wrdreg $0xC0  }
0xb1: {  	_ =	task [dreg:s8], $0x5FFFF  }
0xb2: {  	[dreg:$0x1] =	wrdreg $0xFFFFFFFF  }
0xb3: {  	[dreg:$0x0] =	wrdreg $0x60  }
0xb4: {  	[dreg:$0x2] =	wrdreg s16  }
0xb5: {  	[dreg:$0x3] =	wrdreg s17  }
0xb6: {  	[dreg:$0x4] =	wrdreg s24  }
0xb7: {  	[dreg:$0x5] =	wrdreg $0x9  }
0xb8: {  	_ =	task.clear_ibuf [dreg:s8], $0x6FFFF;
	_ =	strace $0x90000046  }
0xb9: {  	s29 =	simm.s32 $0x9;
	_ =	strace $0x80000048  }
0xba: {  	_ =	swait.ge [sflag:s29], $0x1  }
0xbb: {  	[sflag:s29] =	ssyncadd.s32 $0xFFFFFFFF  }
0xbc: {  	_ =	strace $0x90000048  }
0xbd: {  	_ =	sfence  }
0xbe: {  	s30 =	sld [smem:$0x0];
	_ =	sdelay $0x2  }
0xbf: {  	s31 =	sshll.u32 s1, $0xD;
	s1 =	sshrl.u32 s1, $0x2  }
0xc0: {  	s3 =	sand.u32 $0x4000, s31;
	s1 =	sadd.s32 s1, s30  }
0xc1: {  	s0 =	sor.u32 s3, s0;
	s1 =	sshll.u32 s1, $0x11  }
0xc2: {  	s0 =	sor.u32 s1, s0  }
0xc3: {  	s0 =	sadd.s32 $0x8F2B, s0  }
0xc4: {  	[sflag:s0] =	ssyncadd.remote.s32 $0x1  }
0xc5: {  	_ =	sfence.sel $0xFFFF  }
0xc6: {  	[dreg:$0x0] =	wrdreg $0xFFFFFFFF;
	(pc) =	sbr.abs _section_cstart, $3  }
0xc7: {  	[dreg:$0x1] =	wrdreg $0xFFFFFFFF  }
0xc8: {  	_ =	task.clear_ibuf [dreg:s8], $0x2FFFF;
	_ =	strace $0x9FFFFFFF  }
0xc9: {  	(tm) =	ssettm $0x7FFFFFFF  }
tec
execute0_lowered:
.L_overlay_start_1:
0x0: {  	(tag) =	ssettag $0x1  }
0x1: {  	s9 =	rddreg [dreg:$0x0]  }
0x2: {  	s2 =	rddreg [dreg:$0x1]  }
0x3: {  	s1 =	srdreg.scid;
	s0 =	stileid.u32  }
0x4: {  	s8 =	rddreg [dreg:$0x2];
	s10 =	sand.u32 $0x1, s1;
	s4 =	sshll.u32 s0, $0x1  }
0x5: {  	s3 =	simm.s32 $0x0;
	s1 =	rddreg [dreg:$0x3];
	s11 =	sor.u32 s10, s4  }
0x6: {  	[smem:$0x7FF] =	sst s3;
	s4 =	sshll.u32 s11, $0x5  }
0x7: {  	_ =	strace $0x80000047;
	s5 =	sadd.s32 s9, s4;
	s4 =	simm.s32 $0x2  }
0x8: {  	[tilespmem:s3], [sflag:$0x2] =	stream.linear.gather [hbm4b:s5+s3], $0x80, $0x38;
	[tilespmem:$0x1080] =	vst v63  }
0x9: {  	_ =	swait.ge [sflag:s4], $0x80  }
0xa: {  	[sflag:s4] =	ssyncset.done $0x0  }
0xb: {  	s6 =	simm.s32 $0x80;
	s7 =	simm.s32 $0x1;
	[sflag:s4] =	ssyncadd.s32 $0xFFFFFF80  }
0xc: {  	[tilespmem:s6], [sflag:$0x1] =	stream.indirect.gather [hbm4b:s2+s6], $0x20, s3, s6, $0xb8;
	[tilespmem:$0x1080] =	vst v63  }
0xd: {  	_ =	swait.ge [sflag:s7], $0x1000  }
0xe: {  	s12 =	sadd.s32 $0x800, s8;
	s28 =	sshll.u32 s11, $0xA;
	[sflag:s7] =	ssyncset.done $0x0  }
0xf: {  	s11 =	sshll.u32 s11, $0x8;
	s8 =	sadd.s32 s12, s28;
	[sflag:s7] =	ssyncadd.s32 $0xFFFFF000  }
0x10: {  	[hbm4b:s8+s3] =	stream.linear.scatter [tilespmem:s6], [sflag:$0x2], $0x1000, $0x38;
	[tilespmem:$0x1080] =	vst v63  }
0x11: {  	s11 =	sor.u32 $0x80, s11;
	_ =	swait.ge [sflag:s4], $0x1000  }
0x12: {  	s13 =	sshrl.u32 s11, $0x3;
	[sflag:s4] =	ssyncset.done $0x0  }
0x13: {  	s10 =	ssub.s32 $0x2, s10;
	s9 =	sadd.s32 s9, s13;
	[sflag:s4] =	ssyncadd.s32 $0xFFFFF000  }
0x14: {  	[tilespmem:s3], [sflag:$0x2] =	stream.linear.gather [hbm4b:s9+s3], $0x80, $0x38;
	[tilespmem:$0x1080] =	vst v63  }
0x15: {  	s29 =	sshrl.u32 s10, $0x1;
	_ =	swait.ge [sflag:s4], $0x80  }
0x16: {  	s13 =	ssub.s32 s10, s29;
	[sflag:s4] =	ssyncset.done $0x0  }
0x17: {  	s31 =	smax.u32 s13, $0x1;
	[sflag:s4] =	ssyncadd.s32 $0xFFFFFF80  }
0x18: {  	[tilespmem:s6], [sflag:$0x1] =	stream.indirect.gather [hbm4b:s2+s6], $0x20, s3, s6, $0xb8;
	[tilespmem:$0x1080] =	vst v63  }
0x19: {  	p0 =	sne.s32 s31, $0x1;
	_ =	swait.ge [sflag:s7], $0x1000  }
.Ltmp0:
0x1a: {  	s30 =	sshll.u32 s11, $0x2;
	[sflag:s7] =	ssyncset.done $0x0;
	(pc) =	sbr.rel @!p0 .LBB2_2-.Ltmp0, $4  }
0x1b: {  	s10 =	sadd.s32 s12, s30;
	[sflag:s7] =	ssyncadd.s32 $0xFFFFF000  }
0x1c: {  	[hbm4b:s10+s3] =	stream.linear.scatter [tilespmem:s6], [sflag:$0x2], $0x1000, $0x38;
	[tilespmem:$0x1080] =	vst v63  }
0x1d: {  	_ =	swait.ge [sflag:s4], $0x1000  }
0x1e: {  	s11 =	sadd.s32 $0xFFFFFFFF, s31;
	[sflag:s4] =	ssyncset.done $0x0  }
.LBB2_1:
0x1f: {  	p0 =	sne.s32 s11, $0x1;
	s11 =	sadd.s32 $0xFFFFFFFF, s11;
	[sflag:s4] =	ssyncadd.s32 $0xFFFFF000  }
0x20: {  	[tilespmem:s3], [sflag:$0x2] =	stream.linear.gather [hbm4b:s5+s3], $0x80, $0x38;
	[tilespmem:$0x1080] =	vst v63  }
0x21: {  	_ =	swait.ge [sflag:s4], $0x80  }
0x22: {  	[sflag:s4] =	ssyncset.done $0x0  }
0x23: {  	[sflag:s4] =	ssyncadd.s32 $0xFFFFFF80  }
0x24: {  	[tilespmem:s6], [sflag:$0x1] =	stream.indirect.gather [hbm4b:s2+s6], $0x20, s3, s6, $0xb8;
	[tilespmem:$0x1080] =	vst v63  }
0x25: {  	_ =	swait.ge [sflag:s7], $0x1000  }
0x26: {  	[sflag:s7] =	ssyncset.done $0x0  }
0x27: {  	[sflag:s7] =	ssyncadd.s32 $0xFFFFF000  }
0x28: {  	[hbm4b:s8+s3] =	stream.linear.scatter [tilespmem:s6], [sflag:$0x2], $0x1000, $0x38;
	[tilespmem:$0x1080] =	vst v63  }
0x29: {  	_ =	swait.ge [sflag:s4], $0x1000  }
0x2a: {  	[sflag:s4] =	ssyncset.done $0x0  }
0x2b: {  	[sflag:s4] =	ssyncadd.s32 $0xFFFFF000  }
0x2c: {  	[tilespmem:s3], [sflag:$0x2] =	stream.linear.gather [hbm4b:s9+s3], $0x80, $0x38;
	[tilespmem:$0x1080] =	vst v63  }
0x2d: {  	_ =	swait.ge [sflag:s4], $0x80  }
0x2e: {  	[sflag:s4] =	ssyncset.done $0x0  }
0x2f: {  	[sflag:s4] =	ssyncadd.s32 $0xFFFFFF80  }
0x30: {  	[tilespmem:s6], [sflag:$0x1] =	stream.indirect.gather [hbm4b:s2+s6], $0x20, s3, s6, $0xb8;
	[tilespmem:$0x1080] =	vst v63  }
0x31: {  	_ =	swait.ge [sflag:s7], $0x1000  }
.Ltmp1:
0x32: {  	[sflag:s7] =	ssyncset.done $0x0;
	(pc) =	sbr.rel @p0 .LBB2_1-.Ltmp1, $4  }
0x33: {  	[sflag:s7] =	ssyncadd.s32 $0xFFFFF000  }
0x34: {  	[hbm4b:s10+s3] =	stream.linear.scatter [tilespmem:s6], [sflag:$0x2], $0x1000, $0x38;
	[tilespmem:$0x1080] =	vst v63  }
0x35: {  	_ =	swait.ge [sflag:s4], $0x1000  }
0x36: {  	[sflag:s4] =	ssyncset.done $0x0  }
.LBB2_2:
0x37: {  	[sflag:s4] =	ssyncadd.s32 $0xFFFFF000  }
0x38: {  	_ =	sfence.sel $0x180000  }
0x39: {  	[bflag:$0x0] =	sbarrier.arrive $0xFFFF  }
0x3a: {  	p0 =	sne.s32 s0, $0x0;
	_ =	strace $0x90000047  }
0x3b: {  	s0 =	sadd.s32 @!p0 $0x100000, s1;
	[bflag:$0x2] =	sbarrier.arrive $0xFFFF  }
0x3c: {  	[sflag:s0] =	ssyncadd.tile.s32 @!p0 $0x1;
	_ =	shalt  }
.Lfunc_end2:
_tile_overlayer_lowered:
.L_overlay_start_2:
0x3d: {  	(tag) =	ssettag $0x2  }
0x3e: {  	s0 =	rddreg [dreg:$0x0];
	s2 =	stileid.u32  }
0x3f: {  	s1 =	rddreg [dreg:$0x1];
	p0 =	sne.s32 s2, $0x0  }
0x40: {  	s3 =	rddreg [dreg:$0x2];
	[bflag:$0x3] =	sbarrier.arrive $0xFFFF;
	s2 =	simm.s32 @!p0 $0x1C02  }
0x41: {  	[timem:s3], [sflag:s2] =	dma.local @!p0 [hbm:s0], s1  }
0x42: {  	s0 =	simm.s32 @!p0 $0x2  }
0x43: {  	_ =	swait.ge @!p0 [sflag:s0], s1  }
0x44: {  	s1 =	ssub.s32 @!p0 $0x0, s1;
	[sflag:s0] =	ssyncset.done @!p0 $0x0  }
0x45: {  	[sflag:s0] =	ssyncadd.s32 @!p0 s1  }
0x46: {  	[bflag:$0x3] =	sbarrier.arrive $0xFFFF  }
0x47: {  	_ =	shalt  }

</sc_bundles>
